<compile_context>
chip_gen: v7x
topology: tpu7x:2x2x1
jax: 0.10.2.dev20260603
libtpu: 0.0.44.dev20260713+nightly
codegen_flags: <defaults>
</compile_context>

<pallas_src>
import dataclasses
import functools

import jax
import jax.numpy as jnp
from jax import lax
from jax.experimental import pallas as pl
from jax.experimental.pallas import tpu as pltpu
from jax.experimental.pallas import tpu_sc as plsc

V = 1000000
E = 16
B = 16384
L = 200

PROJ_ROWS = V * E // 128
PROJ_BLK = 5000
GROUPS = 128 // E

NC, NS = 2, 16
NW = NC * NS
RPW = B // NW
CH_ROWS = 64
NCH = RPW // CH_ROWS
CHI = CH_ROWS * L


def _proj_body(t_ref, m_ref, o_ref):
    o_ref[...] = jnp.dot(t_ref[...], m_ref[...],
                         preferred_element_type=jnp.float32)


def _project_table(table, W):
    t_r = table.reshape(PROJ_ROWS, 128)
    m = jnp.kron(jnp.eye(GROUPS, dtype=jnp.float32), W.reshape(E, 1))
    tv2 = pl.pallas_call(
        _proj_body,
        grid=(PROJ_ROWS // PROJ_BLK,),
        in_specs=[
            pl.BlockSpec((PROJ_BLK, 128), lambda i: (i, 0)),
            pl.BlockSpec((128, GROUPS), lambda i: (0, 0)),
        ],
        out_specs=pl.BlockSpec((PROJ_BLK, GROUPS), lambda i: (i, 0)),
        out_shape=jax.ShapeDtypeStruct((PROJ_ROWS, GROUPS), jnp.float32),
    )(t_r, m)
    return tv2.reshape(V)


def _sc_body(xflat_hbm, tv_hbm, bvec_hbm, out_hbm, idx_v, g_v, out_v, b_v, sem):
    wid = lax.axis_index("s") * NC + lax.axis_index("c")
    base = wid * RPW * L
    pltpu.sync_copy(bvec_hbm, b_v)
    for c in range(NCH):
        pltpu.sync_copy(xflat_hbm.at[pl.ds(base + c * CHI, CHI)], idx_v)
        pltpu.async_copy(tv_hbm.at[idx_v], g_v, sem).wait()
        for grp in range(CH_ROWS // 16):
            row_starts = (lax.iota(jnp.int32, 16) + grp * 16) * L

            def red_body(i, acc, row_starts=row_starts):
                return acc + plsc.load_gather(g_v, [row_starts + i])

            acc = lax.fori_loop(0, L, red_body,
                                jnp.zeros((16,), jnp.float32))
            z = acc * jnp.float32(1.0 / L) + b_v[...]
            out_v[pl.ds(c * CH_ROWS + grp * 16, 16)] = (
                jnp.float32(1.0) / (jnp.float32(1.0) + jnp.exp(-z)))
    pltpu.sync_copy(out_v, out_hbm.at[pl.ds(wid * RPW, RPW)])


def kernel(x, table, W, b):
    tv = _project_table(table, W)
    xflat = x.reshape(B * L).astype(jnp.int32)
    bvec = jnp.broadcast_to(b.astype(jnp.float32), (16,))
    cp = pltpu.CompilerParams()
    if "needs_layout_passes" in pltpu.CompilerParams.__dataclass_fields__:
        cp = dataclasses.replace(cp, needs_layout_passes=False)
    sc = functools.partial(
        pl.kernel,
        compiler_params=cp,
        out_type=jax.ShapeDtypeStruct((B,), jnp.float32),
        mesh=plsc.VectorSubcoreMesh(core_axis_name="c", subcore_axis_name="s"),
        scratch_types=[
            pltpu.VMEM((CHI,), jnp.int32),
            pltpu.VMEM((CHI,), jnp.float32),
            pltpu.VMEM((RPW,), jnp.float32),
            pltpu.VMEM((16,), jnp.float32),
            pltpu.SemaphoreType.DMA,
        ],
    )(_sc_body)
    out = sc(xflat, tv, bvec)
    return out.reshape(B, 1)

# --- scband reference (transcript-rebuilt; emitter-appended) ---
"""Pipeline reference for scband-solution-3848290697810 (READ-ONLY COPY).

The authoritative reference and input builder live on the scoring server;
editing this copy changes nothing except your own understanding.
"""

import jax, jax.numpy as jnp
import numpy as np

VOCAB = 1000000
EMB = 16
B = 16384
L = 200

def setup_inputs(seed: int = 0) -> dict:
    key = jax.random.key(seed)
    k1, k2, k3, k4 = jax.random.split(key, 4)
    x = jax.random.randint(k1, (B, L), 0, VOCAB, dtype=jnp.int64 if jax.config.jax_enable_x64 else jnp.int32)
    table = jax.random.normal(k2, (VOCAB, EMB), dtype=jnp.float32)
    W = jax.random.normal(k3, (1, EMB), dtype=jnp.float32) * (1.0 / np.sqrt(EMB))
    b = jax.random.normal(k4, (1,), dtype=jnp.float32) * 0.01
    return {"x": x, "table": table, "W": W, "b": b}

def reference(x, table, W, b):
    emb = jnp.take(table, x, axis=0)          # [B, L, EMB] gather
    pooled = jnp.mean(emb, axis=1)            # [B, EMB]
    logits = pooled @ W.T + b                 # [B, 1]
    return jax.nn.sigmoid(logits)

if __name__ == "__main__":
    import jax
    _d = setup_inputs()
    print(jax.jit(kernel)(*tuple(_d.values())))

</pallas_src>

<mosaic_0001>
#map = affine_map<(d0, d1) -> (0)>
module attributes {stable_mosaic.version = 14 : i64} {
  func.func @_sc_body(%arg0: i32, %arg1: i32, %arg2: memref<3276800xi32, #tpu.memory_space<hbm>>, %arg3: memref<1000000xf32, #tpu.memory_space<hbm>>, %arg4: memref<16xf32, #tpu.memory_space<hbm>>, %arg5: memref<16384xf32, #tpu.memory_space<hbm>>, %arg6: memref<12800xi32, #tpu.memory_space<vmem>>, %arg7: memref<12800xf32, #tpu.memory_space<vmem>>, %arg8: memref<512xf32, #tpu.memory_space<vmem>>, %arg9: memref<16xf32, #tpu.memory_space<vmem>>, %arg10: memref<!tpu.dma_semaphore, #tpu.memory_space<semaphore_mem>>) attributes {dimension_semantics = [#tpu.dimension_semantics<core_parallel>, #tpu.dimension_semantics<subcore_parallel>], iteration_bounds = array<i64: 2, 16>, scalar_prefetch = 0 : i64, scratch_operands = 5 : i64, tpu.core_type = #tpu.core_type<sc_vector_subcore>, window_params = [{transform_indices = #map}, {transform_indices = #map}, {transform_indices = #map}, {transform_indices = #map}]} {
    %mul3A = arith.constant 2 : i32
    %mul3A_0 = arith.muli %arg1, %mul3A : i32
    %add3A = arith.addi %mul3A_0, %arg0 : i32
    %mul3A_1 = arith.constant 512 : i32
    %mul3A_2 = arith.muli %add3A, %mul3A_1 : i32
    %mul3A_3 = arith.constant 200 : i32
    %mul3A_4 = arith.muli %mul3A_2, %mul3A_3 : i32
    "tpu.region"() ({
      %run_scoped3A = tpu.sem_alloc : memref<!tpu.dma_semaphore, #tpu.memory_space<semaphore_mem>>
      tpu.enqueue_dma source(%arg4 : memref<16xf32, #tpu.memory_space<hbm>>) target(%arg9 : memref<16xf32, #tpu.memory_space<vmem>>) target_semaphore(%run_scoped3A : memref<!tpu.dma_semaphore, #tpu.memory_space<semaphore_mem>>)
      tpu.wait_dma2 semaphore(%run_scoped3A : memref<!tpu.dma_semaphore, #tpu.memory_space<semaphore_mem>>) src(%arg4 : memref<16xf32, #tpu.memory_space<hbm>>) dst(%arg9 : memref<16xf32, #tpu.memory_space<vmem>>)
      tpu.yield
    }) : () -> ()
    %add3A_5 = arith.constant 0 : i32
    %add3A_6 = arith.addi %mul3A_4, %add3A_5 : i32
    "tpu.region"() ({
      %run_scoped3A = tpu.sem_alloc : memref<!tpu.dma_semaphore, #tpu.memory_space<semaphore_mem>>
      %dma_start3A_1101 = tpu.memref_slice %arg2[%add3A_6] : memref<3276800xi32, #tpu.memory_space<hbm>> -> memref<12800xi32, #tpu.memory_space<hbm>>
      %dma_start3A_1102 = tpu.memref_slice %arg2[%add3A_6] : memref<3276800xi32, #tpu.memory_space<hbm>> -> memref<12800xi32, #tpu.memory_space<hbm>>
      tpu.enqueue_dma source(%dma_start3A_1102 : memref<12800xi32, #tpu.memory_space<hbm>>) target(%arg6 : memref<12800xi32, #tpu.memory_space<vmem>>) target_semaphore(%run_scoped3A : memref<!tpu.dma_semaphore, #tpu.memory_space<semaphore_mem>>)
      %dma_wait3A_1103 = tpu.memref_slice %arg2[%add3A_6] : memref<3276800xi32, #tpu.memory_space<hbm>> -> memref<12800xi32, #tpu.memory_space<hbm>>
      %dma_wait3A_1104 = tpu.memref_slice %arg2[%add3A_6] : memref<3276800xi32, #tpu.memory_space<hbm>> -> memref<12800xi32, #tpu.memory_space<hbm>>
      tpu.wait_dma2 semaphore(%run_scoped3A : memref<!tpu.dma_semaphore, #tpu.memory_space<semaphore_mem>>) src(%dma_wait3A_1104 : memref<12800xi32, #tpu.memory_space<hbm>>) dst(%arg6 : memref<12800xi32, #tpu.memory_space<vmem>>)
      tpu.yield
    }) : () -> ()
    %dma_start3A = arith.constant 0 : i32
    %dma_start3A_7 = tpu.memref_slice %arg3[%dma_start3A] : memref<1000000xf32, #tpu.memory_space<hbm>> -> memref<1000000xf32, #tpu.memory_space<hbm>>
    tpu.enqueue_indirect_dma source(%dma_start3A_7 : memref<1000000xf32, #tpu.memory_space<hbm>>) target(%arg7 : memref<12800xf32, #tpu.memory_space<vmem>>) offsets(%arg6 : memref<12800xi32, #tpu.memory_space<vmem>>) semaphore(%arg10 : memref<!tpu.dma_semaphore, #tpu.memory_space<semaphore_mem>>)
    %dma_wait3A = arith.constant 0 : i32
    %dma_wait3A_8 = tpu.memref_slice %arg3[%dma_wait3A] : memref<1000000xf32, #tpu.memory_space<hbm>> -> memref<1000000xf32, #tpu.memory_space<hbm>>
    tpu.wait_indirect_dma semaphore(%arg10 : memref<!tpu.dma_semaphore, #tpu.memory_space<semaphore_mem>>) src(%dma_wait3A_8 : memref<1000000xf32, #tpu.memory_space<hbm>>) dst(%arg7 : memref<12800xf32, #tpu.memory_space<vmem>>)
    %iota3A = tpu.iota {dimensions = array<i32: 0>} : vector<16xi32>
    %add3A_9 = arith.constant 0 : i32
    %add3A_10 = vector.broadcast %add3A_9 : i32 to vector<16xi32>
    %add3A_11 = arith.addi %iota3A, %add3A_10 : vector<16xi32>
    %mul3A_12 = arith.constant 200 : i32
    %mul3A_13 = vector.broadcast %mul3A_12 : i32 to vector<16xi32>
    %mul3A_14 = arith.muli %add3A_11, %mul3A_13 : vector<16xi32>
    %broadcast_in_dim3A = arith.constant 0.000000e+00 : f32
    %broadcast_in_dim3A_15 = vector.broadcast %broadcast_in_dim3A : f32 to vector<16xf32>
    %scan3A = arith.constant 0 : i32
    %scan3A_16 = arith.constant 200 : i32
    %scan3A_17 = arith.addi %scan3A, %scan3A_16 : i32
    %scan3A_18 = arith.constant 1 : i32
    %scan3A_19 = scf.for %scan3A_1101 = %scan3A to %scan3A_17 step %scan3A_18 iter_args(%scan3A_1102 = %broadcast_in_dim3A_15) -> (vector<16xf32>)  : i32 {
      %add3A_1103 = vector.broadcast %scan3A_1101 : i32 to vector<16xi32>
      %add3A_1104 = arith.addi %mul3A_14, %add3A_1103 : vector<16xi32>
      %gather3A = tpu.vector_load_idx %arg7[%add3A_1104] : memref<12800xf32, #tpu.memory_space<vmem>>[vector<16xi32>], vector<16xf32>,
      %add3A_1105 = arith.addf %scan3A_1102, %gather3A : vector<16xf32>
      scf.yield %add3A_1105 : vector<16xf32>
    }
    %scan3A_20 = arith.constant 200 : i32
    %mul3A_21 = arith.constant 5.000000e-03 : f32
    %mul3A_22 = vector.broadcast %mul3A_21 : f32 to vector<16xf32>
    %mul3A_23 = arith.mulf %scan3A_19, %mul3A_22 : vector<16xf32>
    %get3A = arith.constant 0 : index
    %get3A_24 = tpu.vector_load %arg9[%get3A] {strides = array<i32>} : memref<16xf32, #tpu.memory_space<vmem>>, vector<16xf32>,
    %add3A_25 = arith.addf %mul3A_23, %get3A_24 : vector<16xf32>
    %neg3A = arith.constant 0.000000e+00 : f32
    %neg3A_26 = vector.broadcast %neg3A : f32 to vector<16xf32>
    %neg3A_27 = arith.subf %neg3A_26, %add3A_25 : vector<16xf32>
    %exp3A = math.exp %neg3A_27 : vector<16xf32>
    %add3A_28 = arith.constant 1.000000e+00 : f32
    %add3A_29 = vector.broadcast %add3A_28 : f32 to vector<16xf32>
    %add3A_30 = arith.addf %add3A_29, %exp3A : vector<16xf32>
    %div3A = arith.constant 1.000000e+00 : f32
    %div3A_31 = vector.broadcast %div3A : f32 to vector<16xf32>
    %div3A_32 = arith.divf %div3A_31, %add3A_30 : vector<16xf32>
    %swap3A = arith.constant 0 : index
    %swap3A_33 = tpu.vector_load %arg8[%swap3A] {strides = array<i32>} : memref<512xf32, #tpu.memory_space<vmem>>, vector<16xf32>,
    tpu.vector_store %arg8[%swap3A], %div3A_32 {strides = array<i32>} : memref<512xf32, #tpu.memory_space<vmem>>, vector<16xf32>,
    %iota3A_34 = tpu.iota {dimensions = array<i32: 0>} : vector<16xi32>
    %add3A_35 = arith.constant 16 : i32
    %add3A_36 = vector.broadcast %add3A_35 : i32 to vector<16xi32>
    %add3A_37 = arith.addi %iota3A_34, %add3A_36 : vector<16xi32>
    %mul3A_38 = arith.constant 200 : i32
    %mul3A_39 = vector.broadcast %mul3A_38 : i32 to vector<16xi32>
    %mul3A_40 = arith.muli %add3A_37, %mul3A_39 : vector<16xi32>
    %broadcast_in_dim3A_41 = arith.constant 0.000000e+00 : f32
    %broadcast_in_dim3A_42 = vector.broadcast %broadcast_in_dim3A_41 : f32 to vector<16xf32>
    %scan3A_43 = arith.constant 0 : i32
    %scan3A_44 = arith.constant 200 : i32
    %scan3A_45 = arith.addi %scan3A_43, %scan3A_44 : i32
    %scan3A_46 = arith.constant 1 : i32
    %scan3A_47 = scf.for %scan3A_1101 = %scan3A_43 to %scan3A_45 step %scan3A_46 iter_args(%scan3A_1102 = %broadcast_in_dim3A_42) -> (vector<16xf32>)  : i32 {
      %add3A_1103 = vector.broadcast %scan3A_1101 : i32 to vector<16xi32>
      %add3A_1104 = arith.addi %mul3A_40, %add3A_1103 : vector<16xi32>
      %gather3A = tpu.vector_load_idx %arg7[%add3A_1104] : memref<12800xf32, #tpu.memory_space<vmem>>[vector<16xi32>], vector<16xf32>,
      %add3A_1105 = arith.addf %scan3A_1102, %gather3A : vector<16xf32>
      scf.yield %add3A_1105 : vector<16xf32>
    }
    %scan3A_48 = arith.constant 200 : i32
    %mul3A_49 = arith.constant 5.000000e-03 : f32
    %mul3A_50 = vector.broadcast %mul3A_49 : f32 to vector<16xf32>
    %mul3A_51 = arith.mulf %scan3A_47, %mul3A_50 : vector<16xf32>
    %get3A_52 = arith.constant 0 : index
    %get3A_53 = tpu.vector_load %arg9[%get3A_52] {strides = array<i32>} : memref<16xf32, #tpu.memory_space<vmem>>, vector<16xf32>,
    %add3A_54 = arith.addf %mul3A_51, %get3A_53 : vector<16xf32>
    %neg3A_55 = arith.constant 0.000000e+00 : f32
    %neg3A_56 = vector.broadcast %neg3A_55 : f32 to vector<16xf32>
    %neg3A_57 = arith.subf %neg3A_56, %add3A_54 : vector<16xf32>
    %exp3A_58 = math.exp %neg3A_57 : vector<16xf32>
    %add3A_59 = arith.constant 1.000000e+00 : f32
    %add3A_60 = vector.broadcast %add3A_59 : f32 to vector<16xf32>
    %add3A_61 = arith.addf %add3A_60, %exp3A_58 : vector<16xf32>
    %div3A_62 = arith.constant 1.000000e+00 : f32
    %div3A_63 = vector.broadcast %div3A_62 : f32 to vector<16xf32>
    %div3A_64 = arith.divf %div3A_63, %add3A_61 : vector<16xf32>
    %swap3A_65 = arith.constant 16 : index
    %swap3A_66 = tpu.vector_load %arg8[%swap3A_65] {strides = array<i32>} : memref<512xf32, #tpu.memory_space<vmem>>, vector<16xf32>,
    tpu.vector_store %arg8[%swap3A_65], %div3A_64 {strides = array<i32>} : memref<512xf32, #tpu.memory_space<vmem>>, vector<16xf32>,
    %iota3A_67 = tpu.iota {dimensions = array<i32: 0>} : vector<16xi32>
    %add3A_68 = arith.constant 32 : i32
    %add3A_69 = vector.broadcast %add3A_68 : i32 to vector<16xi32>
    %add3A_70 = arith.addi %iota3A_67, %add3A_69 : vector<16xi32>
    %mul3A_71 = arith.constant 200 : i32
    %mul3A_72 = vector.broadcast %mul3A_71 : i32 to vector<16xi32>
    %mul3A_73 = arith.muli %add3A_70, %mul3A_72 : vector<16xi32>
    %broadcast_in_dim3A_74 = arith.constant 0.000000e+00 : f32
    %broadcast_in_dim3A_75 = vector.broadcast %broadcast_in_dim3A_74 : f32 to vector<16xf32>
    %scan3A_76 = arith.constant 0 : i32
    %scan3A_77 = arith.constant 200 : i32
    %scan3A_78 = arith.addi %scan3A_76, %scan3A_77 : i32
    %scan3A_79 = arith.constant 1 : i32
    %scan3A_80 = scf.for %scan3A_1101 = %scan3A_76 to %scan3A_78 step %scan3A_79 iter_args(%scan3A_1102 = %broadcast_in_dim3A_75) -> (vector<16xf32>)  : i32 {
      %add3A_1103 = vector.broadcast %scan3A_1101 : i32 to vector<16xi32>
      %add3A_1104 = arith.addi %mul3A_73, %add3A_1103 : vector<16xi32>
      %gather3A = tpu.vector_load_idx %arg7[%add3A_1104] : memref<12800xf32, #tpu.memory_space<vmem>>[vector<16xi32>], vector<16xf32>,
      %add3A_1105 = arith.addf %scan3A_1102, %gather3A : vector<16xf32>
      scf.yield %add3A_1105 : vector<16xf32>
    }
    %scan3A_81 = arith.constant 200 : i32
    %mul3A_82 = arith.constant 5.000000e-03 : f32
    %mul3A_83 = vector.broadcast %mul3A_82 : f32 to vector<16xf32>
    %mul3A_84 = arith.mulf %scan3A_80, %mul3A_83 : vector<16xf32>
    %get3A_85 = arith.constant 0 : index
    %get3A_86 = tpu.vector_load %arg9[%get3A_85] {strides = array<i32>} : memref<16xf32, #tpu.memory_space<vmem>>, vector<16xf32>,
    %add3A_87 = arith.addf %mul3A_84, %get3A_86 : vector<16xf32>
    %neg3A_88 = arith.constant 0.000000e+00 : f32
    %neg3A_89 = vector.broadcast %neg3A_88 : f32 to vector<16xf32>
    %neg3A_90 = arith.subf %neg3A_89, %add3A_87 : vector<16xf32>
    %exp3A_91 = math.exp %neg3A_90 : vector<16xf32>
    %add3A_92 = arith.constant 1.000000e+00 : f32
    %add3A_93 = vector.broadcast %add3A_92 : f32 to vector<16xf32>
    %add3A_94 = arith.addf %add3A_93, %exp3A_91 : vector<16xf32>
    %div3A_95 = arith.constant 1.000000e+00 : f32
    %div3A_96 = vector.broadcast %div3A_95 : f32 to vector<16xf32>
    %div3A_97 = arith.divf %div3A_96, %add3A_94 : vector<16xf32>
    %swap3A_98 = arith.constant 32 : index
    %swap3A_99 = tpu.vector_load %arg8[%swap3A_98] {strides = array<i32>} : memref<512xf32, #tpu.memory_space<vmem>>, vector<16xf32>,
    tpu.vector_store %arg8[%swap3A_98], %div3A_97 {strides = array<i32>} : memref<512xf32, #tpu.memory_space<vmem>>, vector<16xf32>,
    %iota3A_100 = tpu.iota {dimensions = array<i32: 0>} : vector<16xi32>
    %add3A_101 = arith.constant 48 : i32
    %add3A_102 = vector.broadcast %add3A_101 : i32 to vector<16xi32>
    %add3A_103 = arith.addi %iota3A_100, %add3A_102 : vector<16xi32>
    %mul3A_104 = arith.constant 200 : i32
    %mul3A_105 = vector.broadcast %mul3A_104 : i32 to vector<16xi32>
    %mul3A_106 = arith.muli %add3A_103, %mul3A_105 : vector<16xi32>
    %broadcast_in_dim3A_107 = arith.constant 0.000000e+00 : f32
    %broadcast_in_dim3A_108 = vector.broadcast %broadcast_in_dim3A_107 : f32 to vector<16xf32>
    %scan3A_109 = arith.constant 0 : i32
    %scan3A_110 = arith.constant 200 : i32
    %scan3A_111 = arith.addi %scan3A_109, %scan3A_110 : i32
    %scan3A_112 = arith.constant 1 : i32
    %scan3A_113 = scf.for %scan3A_1101 = %scan3A_109 to %scan3A_111 step %scan3A_112 iter_args(%scan3A_1102 = %broadcast_in_dim3A_108) -> (vector<16xf32>)  : i32 {
      %add3A_1103 = vector.broadcast %scan3A_1101 : i32 to vector<16xi32>
      %add3A_1104 = arith.addi %mul3A_106, %add3A_1103 : vector<16xi32>
      %gather3A = tpu.vector_load_idx %arg7[%add3A_1104] : memref<12800xf32, #tpu.memory_space<vmem>>[vector<16xi32>], vector<16xf32>,
      %add3A_1105 = arith.addf %scan3A_1102, %gather3A : vector<16xf32>
      scf.yield %add3A_1105 : vector<16xf32>
    }
    %scan3A_114 = arith.constant 200 : i32
    %mul3A_115 = arith.constant 5.000000e-03 : f32
    %mul3A_116 = vector.broadcast %mul3A_115 : f32 to vector<16xf32>
    %mul3A_117 = arith.mulf %scan3A_113, %mul3A_116 : vector<16xf32>
    %get3A_118 = arith.constant 0 : index
    %get3A_119 = tpu.vector_load %arg9[%get3A_118] {strides = array<i32>} : memref<16xf32, #tpu.memory_space<vmem>>, vector<16xf32>,
    %add3A_120 = arith.addf %mul3A_117, %get3A_119 : vector<16xf32>
    %neg3A_121 = arith.constant 0.000000e+00 : f32
    %neg3A_122 = vector.broadcast %neg3A_121 : f32 to vector<16xf32>
    %neg3A_123 = arith.subf %neg3A_122, %add3A_120 : vector<16xf32>
    %exp3A_124 = math.exp %neg3A_123 : vector<16xf32>
    %add3A_125 = arith.constant 1.000000e+00 : f32
    %add3A_126 = vector.broadcast %add3A_125 : f32 to vector<16xf32>
    %add3A_127 = arith.addf %add3A_126, %exp3A_124 : vector<16xf32>
    %div3A_128 = arith.constant 1.000000e+00 : f32
    %div3A_129 = vector.broadcast %div3A_128 : f32 to vector<16xf32>
    %div3A_130 = arith.divf %div3A_129, %add3A_127 : vector<16xf32>
    %swap3A_131 = arith.constant 48 : index
    %swap3A_132 = tpu.vector_load %arg8[%swap3A_131] {strides = array<i32>} : memref<512xf32, #tpu.memory_space<vmem>>, vector<16xf32>,
    tpu.vector_store %arg8[%swap3A_131], %div3A_130 {strides = array<i32>} : memref<512xf32, #tpu.memory_space<vmem>>, vector<16xf32>,
    %add3A_133 = arith.constant 12800 : i32
    %add3A_134 = arith.addi %mul3A_4, %add3A_133 : i32
    "tpu.region"() ({
      %run_scoped3A = tpu.sem_alloc : memref<!tpu.dma_semaphore, #tpu.memory_space<semaphore_mem>>
      %dma_start3A_1101 = tpu.memref_slice %arg2[%add3A_134] : memref<3276800xi32, #tpu.memory_space<hbm>> -> memref<12800xi32, #tpu.memory_space<hbm>>
      %dma_start3A_1102 = tpu.memref_slice %arg2[%add3A_134] : memref<3276800xi32, #tpu.memory_space<hbm>> -> memref<12800xi32, #tpu.memory_space<hbm>>
      tpu.enqueue_dma source(%dma_start3A_1102 : memref<12800xi32, #tpu.memory_space<hbm>>) target(%arg6 : memref<12800xi32, #tpu.memory_space<vmem>>) target_semaphore(%run_scoped3A : memref<!tpu.dma_semaphore, #tpu.memory_space<semaphore_mem>>)
      %dma_wait3A_1103 = tpu.memref_slice %arg2[%add3A_134] : memref<3276800xi32, #tpu.memory_space<hbm>> -> memref<12800xi32, #tpu.memory_space<hbm>>
      %dma_wait3A_1104 = tpu.memref_slice %arg2[%add3A_134] : memref<3276800xi32, #tpu.memory_space<hbm>> -> memref<12800xi32, #tpu.memory_space<hbm>>
      tpu.wait_dma2 semaphore(%run_scoped3A : memref<!tpu.dma_semaphore, #tpu.memory_space<semaphore_mem>>) src(%dma_wait3A_1104 : memref<12800xi32, #tpu.memory_space<hbm>>) dst(%arg6 : memref<12800xi32, #tpu.memory_space<vmem>>)
      tpu.yield
    }) : () -> ()
    %dma_start3A_135 = arith.constant 0 : i32
    %dma_start3A_136 = tpu.memref_slice %arg3[%dma_start3A_135] : memref<1000000xf32, #tpu.memory_space<hbm>> -> memref<1000000xf32, #tpu.memory_space<hbm>>
    tpu.enqueue_indirect_dma source(%dma_start3A_136 : memref<1000000xf32, #tpu.memory_space<hbm>>) target(%arg7 : memref<12800xf32, #tpu.memory_space<vmem>>) offsets(%arg6 : memref<12800xi32, #tpu.memory_space<vmem>>) semaphore(%arg10 : memref<!tpu.dma_semaphore, #tpu.memory_space<semaphore_mem>>)
    %dma_wait3A_137 = arith.constant 0 : i32
    %dma_wait3A_138 = tpu.memref_slice %arg3[%dma_wait3A_137] : memref<1000000xf32, #tpu.memory_space<hbm>> -> memref<1000000xf32, #tpu.memory_space<hbm>>
    tpu.wait_indirect_dma semaphore(%arg10 : memref<!tpu.dma_semaphore, #tpu.memory_space<semaphore_mem>>) src(%dma_wait3A_138 : memref<1000000xf32, #tpu.memory_space<hbm>>) dst(%arg7 : memref<12800xf32, #tpu.memory_space<vmem>>)
    %iota3A_139 = tpu.iota {dimensions = array<i32: 0>} : vector<16xi32>
    %add3A_140 = arith.constant 0 : i32
    %add3A_141 = vector.broadcast %add3A_140 : i32 to vector<16xi32>
    %add3A_142 = arith.addi %iota3A_139, %add3A_141 : vector<16xi32>
    %mul3A_143 = arith.constant 200 : i32
    %mul3A_144 = vector.broadcast %mul3A_143 : i32 to vector<16xi32>
    %mul3A_145 = arith.muli %add3A_142, %mul3A_144 : vector<16xi32>
    %broadcast_in_dim3A_146 = arith.constant 0.000000e+00 : f32
    %broadcast_in_dim3A_147 = vector.broadcast %broadcast_in_dim3A_146 : f32 to vector<16xf32>
    %scan3A_148 = arith.constant 0 : i32
    %scan3A_149 = arith.constant 200 : i32
    %scan3A_150 = arith.addi %scan3A_148, %scan3A_149 : i32
    %scan3A_151 = arith.constant 1 : i32
    %scan3A_152 = scf.for %scan3A_1101 = %scan3A_148 to %scan3A_150 step %scan3A_151 iter_args(%scan3A_1102 = %broadcast_in_dim3A_147) -> (vector<16xf32>)  : i32 {
      %add3A_1103 = vector.broadcast %scan3A_1101 : i32 to vector<16xi32>
      %add3A_1104 = arith.addi %mul3A_145, %add3A_1103 : vector<16xi32>
      %gather3A = tpu.vector_load_idx %arg7[%add3A_1104] : memref<12800xf32, #tpu.memory_space<vmem>>[vector<16xi32>], vector<16xf32>,
      %add3A_1105 = arith.addf %scan3A_1102, %gather3A : vector<16xf32>
      scf.yield %add3A_1105 : vector<16xf32>
    }
    %scan3A_153 = arith.constant 200 : i32
    %mul3A_154 = arith.constant 5.000000e-03 : f32
    %mul3A_155 = vector.broadcast %mul3A_154 : f32 to vector<16xf32>
    %mul3A_156 = arith.mulf %scan3A_152, %mul3A_155 : vector<16xf32>
    %get3A_157 = arith.constant 0 : index
    %get3A_158 = tpu.vector_load %arg9[%get3A_157] {strides = array<i32>} : memref<16xf32, #tpu.memory_space<vmem>>, vector<16xf32>,
    %add3A_159 = arith.addf %mul3A_156, %get3A_158 : vector<16xf32>
    %neg3A_160 = arith.constant 0.000000e+00 : f32
    %neg3A_161 = vector.broadcast %neg3A_160 : f32 to vector<16xf32>
    %neg3A_162 = arith.subf %neg3A_161, %add3A_159 : vector<16xf32>
    %exp3A_163 = math.exp %neg3A_162 : vector<16xf32>
    %add3A_164 = arith.constant 1.000000e+00 : f32
    %add3A_165 = vector.broadcast %add3A_164 : f32 to vector<16xf32>
    %add3A_166 = arith.addf %add3A_165, %exp3A_163 : vector<16xf32>
    %div3A_167 = arith.constant 1.000000e+00 : f32
    %div3A_168 = vector.broadcast %div3A_167 : f32 to vector<16xf32>
    %div3A_169 = arith.divf %div3A_168, %add3A_166 : vector<16xf32>
    %swap3A_170 = arith.constant 64 : index
    %swap3A_171 = tpu.vector_load %arg8[%swap3A_170] {strides = array<i32>} : memref<512xf32, #tpu.memory_space<vmem>>, vector<16xf32>,
    tpu.vector_store %arg8[%swap3A_170], %div3A_169 {strides = array<i32>} : memref<512xf32, #tpu.memory_space<vmem>>, vector<16xf32>,
    %iota3A_172 = tpu.iota {dimensions = array<i32: 0>} : vector<16xi32>
    %add3A_173 = arith.constant 16 : i32
    %add3A_174 = vector.broadcast %add3A_173 : i32 to vector<16xi32>
    %add3A_175 = arith.addi %iota3A_172, %add3A_174 : vector<16xi32>
    %mul3A_176 = arith.constant 200 : i32
    %mul3A_177 = vector.broadcast %mul3A_176 : i32 to vector<16xi32>
    %mul3A_178 = arith.muli %add3A_175, %mul3A_177 : vector<16xi32>
    %broadcast_in_dim3A_179 = arith.constant 0.000000e+00 : f32
    %broadcast_in_dim3A_180 = vector.broadcast %broadcast_in_dim3A_179 : f32 to vector<16xf32>
    %scan3A_181 = arith.constant 0 : i32
    %scan3A_182 = arith.constant 200 : i32
    %scan3A_183 = arith.addi %scan3A_181, %scan3A_182 : i32
    %scan3A_184 = arith.constant 1 : i32
    %scan3A_185 = scf.for %scan3A_1101 = %scan3A_181 to %scan3A_183 step %scan3A_184 iter_args(%scan3A_1102 = %broadcast_in_dim3A_180) -> (vector<16xf32>)  : i32 {
      %add3A_1103 = vector.broadcast %scan3A_1101 : i32 to vector<16xi32>
      %add3A_1104 = arith.addi %mul3A_178, %add3A_1103 : vector<16xi32>
      %gather3A = tpu.vector_load_idx %arg7[%add3A_1104] : memref<12800xf32, #tpu.memory_space<vmem>>[vector<16xi32>], vector<16xf32>,
      %add3A_1105 = arith.addf %scan3A_1102, %gather3A : vector<16xf32>
      scf.yield %add3A_1105 : vector<16xf32>
    }
    %scan3A_186 = arith.constant 200 : i32
    %mul3A_187 = arith.constant 5.000000e-03 : f32
    %mul3A_188 = vector.broadcast %mul3A_187 : f32 to vector<16xf32>
    %mul3A_189 = arith.mulf %scan3A_185, %mul3A_188 : vector<16xf32>
    %get3A_190 = arith.constant 0 : index
    %get3A_191 = tpu.vector_load %arg9[%get3A_190] {strides = array<i32>} : memref<16xf32, #tpu.memory_space<vmem>>, vector<16xf32>,
    %add3A_192 = arith.addf %mul3A_189, %get3A_191 : vector<16xf32>
    %neg3A_193 = arith.constant 0.000000e+00 : f32
    %neg3A_194 = vector.broadcast %neg3A_193 : f32 to vector<16xf32>
    %neg3A_195 = arith.subf %neg3A_194, %add3A_192 : vector<16xf32>
    %exp3A_196 = math.exp %neg3A_195 : vector<16xf32>
    %add3A_197 = arith.constant 1.000000e+00 : f32
    %add3A_198 = vector.broadcast %add3A_197 : f32 to vector<16xf32>
    %add3A_199 = arith.addf %add3A_198, %exp3A_196 : vector<16xf32>
    %div3A_200 = arith.constant 1.000000e+00 : f32
    %div3A_201 = vector.broadcast %div3A_200 : f32 to vector<16xf32>
    %div3A_202 = arith.divf %div3A_201, %add3A_199 : vector<16xf32>
    %swap3A_203 = arith.constant 80 : index
    %swap3A_204 = tpu.vector_load %arg8[%swap3A_203] {strides = array<i32>} : memref<512xf32, #tpu.memory_space<vmem>>, vector<16xf32>,
    tpu.vector_store %arg8[%swap3A_203], %div3A_202 {strides = array<i32>} : memref<512xf32, #tpu.memory_space<vmem>>, vector<16xf32>,
    %iota3A_205 = tpu.iota {dimensions = array<i32: 0>} : vector<16xi32>
    %add3A_206 = arith.constant 32 : i32
    %add3A_207 = vector.broadcast %add3A_206 : i32 to vector<16xi32>
    %add3A_208 = arith.addi %iota3A_205, %add3A_207 : vector<16xi32>
    %mul3A_209 = arith.constant 200 : i32
    %mul3A_210 = vector.broadcast %mul3A_209 : i32 to vector<16xi32>
    %mul3A_211 = arith.muli %add3A_208, %mul3A_210 : vector<16xi32>
    %broadcast_in_dim3A_212 = arith.constant 0.000000e+00 : f32
    %broadcast_in_dim3A_213 = vector.broadcast %broadcast_in_dim3A_212 : f32 to vector<16xf32>
    %scan3A_214 = arith.constant 0 : i32
    %scan3A_215 = arith.constant 200 : i32
    %scan3A_216 = arith.addi %scan3A_214, %scan3A_215 : i32
    %scan3A_217 = arith.constant 1 : i32
    %scan3A_218 = scf.for %scan3A_1101 = %scan3A_214 to %scan3A_216 step %scan3A_217 iter_args(%scan3A_1102 = %broadcast_in_dim3A_213) -> (vector<16xf32>)  : i32 {
      %add3A_1103 = vector.broadcast %scan3A_1101 : i32 to vector<16xi32>
      %add3A_1104 = arith.addi %mul3A_211, %add3A_1103 : vector<16xi32>
      %gather3A = tpu.vector_load_idx %arg7[%add3A_1104] : memref<12800xf32, #tpu.memory_space<vmem>>[vector<16xi32>], vector<16xf32>,
      %add3A_1105 = arith.addf %scan3A_1102, %gather3A : vector<16xf32>
      scf.yield %add3A_1105 : vector<16xf32>
    }
    %scan3A_219 = arith.constant 200 : i32
    %mul3A_220 = arith.constant 5.000000e-03 : f32
    %mul3A_221 = vector.broadcast %mul3A_220 : f32 to vector<16xf32>
    %mul3A_222 = arith.mulf %scan3A_218, %mul3A_221 : vector<16xf32>
    %get3A_223 = arith.constant 0 : index
    %get3A_224 = tpu.vector_load %arg9[%get3A_223] {strides = array<i32>} : memref<16xf32, #tpu.memory_space<vmem>>, vector<16xf32>,
    %add3A_225 = arith.addf %mul3A_222, %get3A_224 : vector<16xf32>
    %neg3A_226 = arith.constant 0.000000e+00 : f32
    %neg3A_227 = vector.broadcast %neg3A_226 : f32 to vector<16xf32>
    %neg3A_228 = arith.subf %neg3A_227, %add3A_225 : vector<16xf32>
    %exp3A_229 = math.exp %neg3A_228 : vector<16xf32>
    %add3A_230 = arith.constant 1.000000e+00 : f32
    %add3A_231 = vector.broadcast %add3A_230 : f32 to vector<16xf32>
    %add3A_232 = arith.addf %add3A_231, %exp3A_229 : vector<16xf32>
    %div3A_233 = arith.constant 1.000000e+00 : f32
    %div3A_234 = vector.broadcast %div3A_233 : f32 to vector<16xf32>
    %div3A_235 = arith.divf %div3A_234, %add3A_232 : vector<16xf32>
    %swap3A_236 = arith.constant 96 : index
    %swap3A_237 = tpu.vector_load %arg8[%swap3A_236] {strides = array<i32>} : memref<512xf32, #tpu.memory_space<vmem>>, vector<16xf32>,
    tpu.vector_store %arg8[%swap3A_236], %div3A_235 {strides = array<i32>} : memref<512xf32, #tpu.memory_space<vmem>>, vector<16xf32>,
    %iota3A_238 = tpu.iota {dimensions = array<i32: 0>} : vector<16xi32>
    %add3A_239 = arith.constant 48 : i32
    %add3A_240 = vector.broadcast %add3A_239 : i32 to vector<16xi32>
    %add3A_241 = arith.addi %iota3A_238, %add3A_240 : vector<16xi32>
    %mul3A_242 = arith.constant 200 : i32
    %mul3A_243 = vector.broadcast %mul3A_242 : i32 to vector<16xi32>
    %mul3A_244 = arith.muli %add3A_241, %mul3A_243 : vector<16xi32>
    %broadcast_in_dim3A_245 = arith.constant 0.000000e+00 : f32
    %broadcast_in_dim3A_246 = vector.broadcast %broadcast_in_dim3A_245 : f32 to vector<16xf32>
    %scan3A_247 = arith.constant 0 : i32
    %scan3A_248 = arith.constant 200 : i32
    %scan3A_249 = arith.addi %scan3A_247, %scan3A_248 : i32
    %scan3A_250 = arith.constant 1 : i32
    %scan3A_251 = scf.for %scan3A_1101 = %scan3A_247 to %scan3A_249 step %scan3A_250 iter_args(%scan3A_1102 = %broadcast_in_dim3A_246) -> (vector<16xf32>)  : i32 {
      %add3A_1103 = vector.broadcast %scan3A_1101 : i32 to vector<16xi32>
      %add3A_1104 = arith.addi %mul3A_244, %add3A_1103 : vector<16xi32>
      %gather3A = tpu.vector_load_idx %arg7[%add3A_1104] : memref<12800xf32, #tpu.memory_space<vmem>>[vector<16xi32>], vector<16xf32>,
      %add3A_1105 = arith.addf %scan3A_1102, %gather3A : vector<16xf32>
      scf.yield %add3A_1105 : vector<16xf32>
    }
    %scan3A_252 = arith.constant 200 : i32
    %mul3A_253 = arith.constant 5.000000e-03 : f32
    %mul3A_254 = vector.broadcast %mul3A_253 : f32 to vector<16xf32>
    %mul3A_255 = arith.mulf %scan3A_251, %mul3A_254 : vector<16xf32>
    %get3A_256 = arith.constant 0 : index
    %get3A_257 = tpu.vector_load %arg9[%get3A_256] {strides = array<i32>} : memref<16xf32, #tpu.memory_space<vmem>>, vector<16xf32>,
    %add3A_258 = arith.addf %mul3A_255, %get3A_257 : vector<16xf32>
    %neg3A_259 = arith.constant 0.000000e+00 : f32
    %neg3A_260 = vector.broadcast %neg3A_259 : f32 to vector<16xf32>
    %neg3A_261 = arith.subf %neg3A_260, %add3A_258 : vector<16xf32>
    %exp3A_262 = math.exp %neg3A_261 : vector<16xf32>
    %add3A_263 = arith.constant 1.000000e+00 : f32
    %add3A_264 = vector.broadcast %add3A_263 : f32 to vector<16xf32>
    %add3A_265 = arith.addf %add3A_264, %exp3A_262 : vector<16xf32>
    %div3A_266 = arith.constant 1.000000e+00 : f32
    %div3A_267 = vector.broadcast %div3A_266 : f32 to vector<16xf32>
    %div3A_268 = arith.divf %div3A_267, %add3A_265 : vector<16xf32>
    %swap3A_269 = arith.constant 112 : index
    %swap3A_270 = tpu.vector_load %arg8[%swap3A_269] {strides = array<i32>} : memref<512xf32, #tpu.memory_space<vmem>>, vector<16xf32>,
    tpu.vector_store %arg8[%swap3A_269], %div3A_268 {strides = array<i32>} : memref<512xf32, #tpu.memory_space<vmem>>, vector<16xf32>,
    %add3A_271 = arith.constant 25600 : i32
    %add3A_272 = arith.addi %mul3A_4, %add3A_271 : i32
    "tpu.region"() ({
      %run_scoped3A = tpu.sem_alloc : memref<!tpu.dma_semaphore, #tpu.memory_space<semaphore_mem>>
      %dma_start3A_1101 = tpu.memref_slice %arg2[%add3A_272] : memref<3276800xi32, #tpu.memory_space<hbm>> -> memref<12800xi32, #tpu.memory_space<hbm>>
      %dma_start3A_1102 = tpu.memref_slice %arg2[%add3A_272] : memref<3276800xi32, #tpu.memory_space<hbm>> -> memref<12800xi32, #tpu.memory_space<hbm>>
      tpu.enqueue_dma source(%dma_start3A_1102 : memref<12800xi32, #tpu.memory_space<hbm>>) target(%arg6 : memref<12800xi32, #tpu.memory_space<vmem>>) target_semaphore(%run_scoped3A : memref<!tpu.dma_semaphore, #tpu.memory_space<semaphore_mem>>)
      %dma_wait3A_1103 = tpu.memref_slice %arg2[%add3A_272] : memref<3276800xi32, #tpu.memory_space<hbm>> -> memref<12800xi32, #tpu.memory_space<hbm>>
      %dma_wait3A_1104 = tpu.memref_slice %arg2[%add3A_272] : memref<3276800xi32, #tpu.memory_space<hbm>> -> memref<12800xi32, #tpu.memory_space<hbm>>
      tpu.wait_dma2 semaphore(%run_scoped3A : memref<!tpu.dma_semaphore, #tpu.memory_space<semaphore_mem>>) src(%dma_wait3A_1104 : memref<12800xi32, #tpu.memory_space<hbm>>) dst(%arg6 : memref<12800xi32, #tpu.memory_space<vmem>>)
      tpu.yield
    }) : () -> ()
    %dma_start3A_273 = arith.constant 0 : i32
    %dma_start3A_274 = tpu.memref_slice %arg3[%dma_start3A_273] : memref<1000000xf32, #tpu.memory_space<hbm>> -> memref<1000000xf32, #tpu.memory_space<hbm>>
    tpu.enqueue_indirect_dma source(%dma_start3A_274 : memref<1000000xf32, #tpu.memory_space<hbm>>) target(%arg7 : memref<12800xf32, #tpu.memory_space<vmem>>) offsets(%arg6 : memref<12800xi32, #tpu.memory_space<vmem>>) semaphore(%arg10 : memref<!tpu.dma_semaphore, #tpu.memory_space<semaphore_mem>>)
    %dma_wait3A_275 = arith.constant 0 : i32
    %dma_wait3A_276 = tpu.memref_slice %arg3[%dma_wait3A_275] : memref<1000000xf32, #tpu.memory_space<hbm>> -> memref<1000000xf32, #tpu.memory_space<hbm>>
    tpu.wait_indirect_dma semaphore(%arg10 : memref<!tpu.dma_semaphore, #tpu.memory_space<semaphore_mem>>) src(%dma_wait3A_276 : memref<1000000xf32, #tpu.memory_space<hbm>>) dst(%arg7 : memref<12800xf32, #tpu.memory_space<vmem>>)
    %iota3A_277 = tpu.iota {dimensions = array<i32: 0>} : vector<16xi32>
    %add3A_278 = arith.constant 0 : i32
    %add3A_279 = vector.broadcast %add3A_278 : i32 to vector<16xi32>
    %add3A_280 = arith.addi %iota3A_277, %add3A_279 : vector<16xi32>
    %mul3A_281 = arith.constant 200 : i32
    %mul3A_282 = vector.broadcast %mul3A_281 : i32 to vector<16xi32>
    %mul3A_283 = arith.muli %add3A_280, %mul3A_282 : vector<16xi32>
    %broadcast_in_dim3A_284 = arith.constant 0.000000e+00 : f32
    %broadcast_in_dim3A_285 = vector.broadcast %broadcast_in_dim3A_284 : f32 to vector<16xf32>
    %scan3A_286 = arith.constant 0 : i32
    %scan3A_287 = arith.constant 200 : i32
    %scan3A_288 = arith.addi %scan3A_286, %scan3A_287 : i32
    %scan3A_289 = arith.constant 1 : i32
    %scan3A_290 = scf.for %scan3A_1101 = %scan3A_286 to %scan3A_288 step %scan3A_289 iter_args(%scan3A_1102 = %broadcast_in_dim3A_285) -> (vector<16xf32>)  : i32 {
      %add3A_1103 = vector.broadcast %scan3A_1101 : i32 to vector<16xi32>
      %add3A_1104 = arith.addi %mul3A_283, %add3A_1103 : vector<16xi32>
      %gather3A = tpu.vector_load_idx %arg7[%add3A_1104] : memref<12800xf32, #tpu.memory_space<vmem>>[vector<16xi32>], vector<16xf32>,
      %add3A_1105 = arith.addf %scan3A_1102, %gather3A : vector<16xf32>
      scf.yield %add3A_1105 : vector<16xf32>
    }
    %scan3A_291 = arith.constant 200 : i32
    %mul3A_292 = arith.constant 5.000000e-03 : f32
    %mul3A_293 = vector.broadcast %mul3A_292 : f32 to vector<16xf32>
    %mul3A_294 = arith.mulf %scan3A_290, %mul3A_293 : vector<16xf32>
    %get3A_295 = arith.constant 0 : index
    %get3A_296 = tpu.vector_load %arg9[%get3A_295] {strides = array<i32>} : memref<16xf32, #tpu.memory_space<vmem>>, vector<16xf32>,
    %add3A_297 = arith.addf %mul3A_294, %get3A_296 : vector<16xf32>
    %neg3A_298 = arith.constant 0.000000e+00 : f32
    %neg3A_299 = vector.broadcast %neg3A_298 : f32 to vector<16xf32>
    %neg3A_300 = arith.subf %neg3A_299, %add3A_297 : vector<16xf32>
    %exp3A_301 = math.exp %neg3A_300 : vector<16xf32>
    %add3A_302 = arith.constant 1.000000e+00 : f32
    %add3A_303 = vector.broadcast %add3A_302 : f32 to vector<16xf32>
    %add3A_304 = arith.addf %add3A_303, %exp3A_301 : vector<16xf32>
    %div3A_305 = arith.constant 1.000000e+00 : f32
    %div3A_306 = vector.broadcast %div3A_305 : f32 to vector<16xf32>
    %div3A_307 = arith.divf %div3A_306, %add3A_304 : vector<16xf32>
    %swap3A_308 = arith.constant 128 : index
    %swap3A_309 = tpu.vector_load %arg8[%swap3A_308] {strides = array<i32>} : memref<512xf32, #tpu.memory_space<vmem>>, vector<16xf32>,
    tpu.vector_store %arg8[%swap3A_308], %div3A_307 {strides = array<i32>} : memref<512xf32, #tpu.memory_space<vmem>>, vector<16xf32>,
    %iota3A_310 = tpu.iota {dimensions = array<i32: 0>} : vector<16xi32>
    %add3A_311 = arith.constant 16 : i32
    %add3A_312 = vector.broadcast %add3A_311 : i32 to vector<16xi32>
    %add3A_313 = arith.addi %iota3A_310, %add3A_312 : vector<16xi32>
    %mul3A_314 = arith.constant 200 : i32
    %mul3A_315 = vector.broadcast %mul3A_314 : i32 to vector<16xi32>
    %mul3A_316 = arith.muli %add3A_313, %mul3A_315 : vector<16xi32>
    %broadcast_in_dim3A_317 = arith.constant 0.000000e+00 : f32
    %broadcast_in_dim3A_318 = vector.broadcast %broadcast_in_dim3A_317 : f32 to vector<16xf32>
    %scan3A_319 = arith.constant 0 : i32
    %scan3A_320 = arith.constant 200 : i32
    %scan3A_321 = arith.addi %scan3A_319, %scan3A_320 : i32
    %scan3A_322 = arith.constant 1 : i32
    %scan3A_323 = scf.for %scan3A_1101 = %scan3A_319 to %scan3A_321 step %scan3A_322 iter_args(%scan3A_1102 = %broadcast_in_dim3A_318) -> (vector<16xf32>)  : i32 {
      %add3A_1103 = vector.broadcast %scan3A_1101 : i32 to vector<16xi32>
      %add3A_1104 = arith.addi %mul3A_316, %add3A_1103 : vector<16xi32>
      %gather3A = tpu.vector_load_idx %arg7[%add3A_1104] : memref<12800xf32, #tpu.memory_space<vmem>>[vector<16xi32>], vector<16xf32>,
      %add3A_1105 = arith.addf %scan3A_1102, %gather3A : vector<16xf32>
      scf.yield %add3A_1105 : vector<16xf32>
    }
    %scan3A_324 = arith.constant 200 : i32
    %mul3A_325 = arith.constant 5.000000e-03 : f32
    %mul3A_326 = vector.broadcast %mul3A_325 : f32 to vector<16xf32>
    %mul3A_327 = arith.mulf %scan3A_323, %mul3A_326 : vector<16xf32>
    %get3A_328 = arith.constant 0 : index
    %get3A_329 = tpu.vector_load %arg9[%get3A_328] {strides = array<i32>} : memref<16xf32, #tpu.memory_space<vmem>>, vector<16xf32>,
    %add3A_330 = arith.addf %mul3A_327, %get3A_329 : vector<16xf32>
    %neg3A_331 = arith.constant 0.000000e+00 : f32
    %neg3A_332 = vector.broadcast %neg3A_331 : f32 to vector<16xf32>
    %neg3A_333 = arith.subf %neg3A_332, %add3A_330 : vector<16xf32>
    %exp3A_334 = math.exp %neg3A_333 : vector<16xf32>
    %add3A_335 = arith.constant 1.000000e+00 : f32
    %add3A_336 = vector.broadcast %add3A_335 : f32 to vector<16xf32>
    %add3A_337 = arith.addf %add3A_336, %exp3A_334 : vector<16xf32>
    %div3A_338 = arith.constant 1.000000e+00 : f32
    %div3A_339 = vector.broadcast %div3A_338 : f32 to vector<16xf32>
    %div3A_340 = arith.divf %div3A_339, %add3A_337 : vector<16xf32>
    %swap3A_341 = arith.constant 144 : index
    %swap3A_342 = tpu.vector_load %arg8[%swap3A_341] {strides = array<i32>} : memref<512xf32, #tpu.memory_space<vmem>>, vector<16xf32>,
    tpu.vector_store %arg8[%swap3A_341], %div3A_340 {strides = array<i32>} : memref<512xf32, #tpu.memory_space<vmem>>, vector<16xf32>,
    %iota3A_343 = tpu.iota {dimensions = array<i32: 0>} : vector<16xi32>
    %add3A_344 = arith.constant 32 : i32
    %add3A_345 = vector.broadcast %add3A_344 : i32 to vector<16xi32>
    %add3A_346 = arith.addi %iota3A_343, %add3A_345 : vector<16xi32>
    %mul3A_347 = arith.constant 200 : i32
    %mul3A_348 = vector.broadcast %mul3A_347 : i32 to vector<16xi32>
    %mul3A_349 = arith.muli %add3A_346, %mul3A_348 : vector<16xi32>
    %broadcast_in_dim3A_350 = arith.constant 0.000000e+00 : f32
    %broadcast_in_dim3A_351 = vector.broadcast %broadcast_in_dim3A_350 : f32 to vector<16xf32>
    %scan3A_352 = arith.constant 0 : i32
    %scan3A_353 = arith.constant 200 : i32
    %scan3A_354 = arith.addi %scan3A_352, %scan3A_353 : i32
    %scan3A_355 = arith.constant 1 : i32
    %scan3A_356 = scf.for %scan3A_1101 = %scan3A_352 to %scan3A_354 step %scan3A_355 iter_args(%scan3A_1102 = %broadcast_in_dim3A_351) -> (vector<16xf32>)  : i32 {
      %add3A_1103 = vector.broadcast %scan3A_1101 : i32 to vector<16xi32>
      %add3A_1104 = arith.addi %mul3A_349, %add3A_1103 : vector<16xi32>
      %gather3A = tpu.vector_load_idx %arg7[%add3A_1104] : memref<12800xf32, #tpu.memory_space<vmem>>[vector<16xi32>], vector<16xf32>,
      %add3A_1105 = arith.addf %scan3A_1102, %gather3A : vector<16xf32>
      scf.yield %add3A_1105 : vector<16xf32>
    }
    %scan3A_357 = arith.constant 200 : i32
    %mul3A_358 = arith.constant 5.000000e-03 : f32
    %mul3A_359 = vector.broadcast %mul3A_358 : f32 to vector<16xf32>
    %mul3A_360 = arith.mulf %scan3A_356, %mul3A_359 : vector<16xf32>
    %get3A_361 = arith.constant 0 : index
    %get3A_362 = tpu.vector_load %arg9[%get3A_361] {strides = array<i32>} : memref<16xf32, #tpu.memory_space<vmem>>, vector<16xf32>,
    %add3A_363 = arith.addf %mul3A_360, %get3A_362 : vector<16xf32>
    %neg3A_364 = arith.constant 0.000000e+00 : f32
    %neg3A_365 = vector.broadcast %neg3A_364 : f32 to vector<16xf32>
    %neg3A_366 = arith.subf %neg3A_365, %add3A_363 : vector<16xf32>
    %exp3A_367 = math.exp %neg3A_366 : vector<16xf32>
    %add3A_368 = arith.constant 1.000000e+00 : f32
    %add3A_369 = vector.broadcast %add3A_368 : f32 to vector<16xf32>
    %add3A_370 = arith.addf %add3A_369, %exp3A_367 : vector<16xf32>
    %div3A_371 = arith.constant 1.000000e+00 : f32
    %div3A_372 = vector.broadcast %div3A_371 : f32 to vector<16xf32>
    %div3A_373 = arith.divf %div3A_372, %add3A_370 : vector<16xf32>
    %swap3A_374 = arith.constant 160 : index
    %swap3A_375 = tpu.vector_load %arg8[%swap3A_374] {strides = array<i32>} : memref<512xf32, #tpu.memory_space<vmem>>, vector<16xf32>,
    tpu.vector_store %arg8[%swap3A_374], %div3A_373 {strides = array<i32>} : memref<512xf32, #tpu.memory_space<vmem>>, vector<16xf32>,
    %iota3A_376 = tpu.iota {dimensions = array<i32: 0>} : vector<16xi32>
    %add3A_377 = arith.constant 48 : i32
    %add3A_378 = vector.broadcast %add3A_377 : i32 to vector<16xi32>
    %add3A_379 = arith.addi %iota3A_376, %add3A_378 : vector<16xi32>
    %mul3A_380 = arith.constant 200 : i32
    %mul3A_381 = vector.broadcast %mul3A_380 : i32 to vector<16xi32>
    %mul3A_382 = arith.muli %add3A_379, %mul3A_381 : vector<16xi32>
    %broadcast_in_dim3A_383 = arith.constant 0.000000e+00 : f32
    %broadcast_in_dim3A_384 = vector.broadcast %broadcast_in_dim3A_383 : f32 to vector<16xf32>
    %scan3A_385 = arith.constant 0 : i32
    %scan3A_386 = arith.constant 200 : i32
    %scan3A_387 = arith.addi %scan3A_385, %scan3A_386 : i32
    %scan3A_388 = arith.constant 1 : i32
    %scan3A_389 = scf.for %scan3A_1101 = %scan3A_385 to %scan3A_387 step %scan3A_388 iter_args(%scan3A_1102 = %broadcast_in_dim3A_384) -> (vector<16xf32>)  : i32 {
      %add3A_1103 = vector.broadcast %scan3A_1101 : i32 to vector<16xi32>
      %add3A_1104 = arith.addi %mul3A_382, %add3A_1103 : vector<16xi32>
      %gather3A = tpu.vector_load_idx %arg7[%add3A_1104] : memref<12800xf32, #tpu.memory_space<vmem>>[vector<16xi32>], vector<16xf32>,
      %add3A_1105 = arith.addf %scan3A_1102, %gather3A : vector<16xf32>
      scf.yield %add3A_1105 : vector<16xf32>
    }
    %scan3A_390 = arith.constant 200 : i32
    %mul3A_391 = arith.constant 5.000000e-03 : f32
    %mul3A_392 = vector.broadcast %mul3A_391 : f32 to vector<16xf32>
    %mul3A_393 = arith.mulf %scan3A_389, %mul3A_392 : vector<16xf32>
    %get3A_394 = arith.constant 0 : index
    %get3A_395 = tpu.vector_load %arg9[%get3A_394] {strides = array<i32>} : memref<16xf32, #tpu.memory_space<vmem>>, vector<16xf32>,
    %add3A_396 = arith.addf %mul3A_393, %get3A_395 : vector<16xf32>
    %neg3A_397 = arith.constant 0.000000e+00 : f32
    %neg3A_398 = vector.broadcast %neg3A_397 : f32 to vector<16xf32>
    %neg3A_399 = arith.subf %neg3A_398, %add3A_396 : vector<16xf32>
    %exp3A_400 = math.exp %neg3A_399 : vector<16xf32>
    %add3A_401 = arith.constant 1.000000e+00 : f32
    %add3A_402 = vector.broadcast %add3A_401 : f32 to vector<16xf32>
    %add3A_403 = arith.addf %add3A_402, %exp3A_400 : vector<16xf32>
    %div3A_404 = arith.constant 1.000000e+00 : f32
    %div3A_405 = vector.broadcast %div3A_404 : f32 to vector<16xf32>
    %div3A_406 = arith.divf %div3A_405, %add3A_403 : vector<16xf32>
    %swap3A_407 = arith.constant 176 : index
    %swap3A_408 = tpu.vector_load %arg8[%swap3A_407] {strides = array<i32>} : memref<512xf32, #tpu.memory_space<vmem>>, vector<16xf32>,
    tpu.vector_store %arg8[%swap3A_407], %div3A_406 {strides = array<i32>} : memref<512xf32, #tpu.memory_space<vmem>>, vector<16xf32>,
    %add3A_409 = arith.constant 38400 : i32
    %add3A_410 = arith.addi %mul3A_4, %add3A_409 : i32
    "tpu.region"() ({
      %run_scoped3A = tpu.sem_alloc : memref<!tpu.dma_semaphore, #tpu.memory_space<semaphore_mem>>
      %dma_start3A_1101 = tpu.memref_slice %arg2[%add3A_410] : memref<3276800xi32, #tpu.memory_space<hbm>> -> memref<12800xi32, #tpu.memory_space<hbm>>
      %dma_start3A_1102 = tpu.memref_slice %arg2[%add3A_410] : memref<3276800xi32, #tpu.memory_space<hbm>> -> memref<12800xi32, #tpu.memory_space<hbm>>
      tpu.enqueue_dma source(%dma_start3A_1102 : memref<12800xi32, #tpu.memory_space<hbm>>) target(%arg6 : memref<12800xi32, #tpu.memory_space<vmem>>) target_semaphore(%run_scoped3A : memref<!tpu.dma_semaphore, #tpu.memory_space<semaphore_mem>>)
      %dma_wait3A_1103 = tpu.memref_slice %arg2[%add3A_410] : memref<3276800xi32, #tpu.memory_space<hbm>> -> memref<12800xi32, #tpu.memory_space<hbm>>
      %dma_wait3A_1104 = tpu.memref_slice %arg2[%add3A_410] : memref<3276800xi32, #tpu.memory_space<hbm>> -> memref<12800xi32, #tpu.memory_space<hbm>>
      tpu.wait_dma2 semaphore(%run_scoped3A : memref<!tpu.dma_semaphore, #tpu.memory_space<semaphore_mem>>) src(%dma_wait3A_1104 : memref<12800xi32, #tpu.memory_space<hbm>>) dst(%arg6 : memref<12800xi32, #tpu.memory_space<vmem>>)
      tpu.yield
    }) : () -> ()
    %dma_start3A_411 = arith.constant 0 : i32
    %dma_start3A_412 = tpu.memref_slice %arg3[%dma_start3A_411] : memref<1000000xf32, #tpu.memory_space<hbm>> -> memref<1000000xf32, #tpu.memory_space<hbm>>
    tpu.enqueue_indirect_dma source(%dma_start3A_412 : memref<1000000xf32, #tpu.memory_space<hbm>>) target(%arg7 : memref<12800xf32, #tpu.memory_space<vmem>>) offsets(%arg6 : memref<12800xi32, #tpu.memory_space<vmem>>) semaphore(%arg10 : memref<!tpu.dma_semaphore, #tpu.memory_space<semaphore_mem>>)
    %dma_wait3A_413 = arith.constant 0 : i32
    %dma_wait3A_414 = tpu.memref_slice %arg3[%dma_wait3A_413] : memref<1000000xf32, #tpu.memory_space<hbm>> -> memref<1000000xf32, #tpu.memory_space<hbm>>
    tpu.wait_indirect_dma semaphore(%arg10 : memref<!tpu.dma_semaphore, #tpu.memory_space<semaphore_mem>>) src(%dma_wait3A_414 : memref<1000000xf32, #tpu.memory_space<hbm>>) dst(%arg7 : memref<12800xf32, #tpu.memory_space<vmem>>)
    %iota3A_415 = tpu.iota {dimensions = array<i32: 0>} : vector<16xi32>
    %add3A_416 = arith.constant 0 : i32
    %add3A_417 = vector.broadcast %add3A_416 : i32 to vector<16xi32>
    %add3A_418 = arith.addi %iota3A_415, %add3A_417 : vector<16xi32>
    %mul3A_419 = arith.constant 200 : i32
    %mul3A_420 = vector.broadcast %mul3A_419 : i32 to vector<16xi32>
    %mul3A_421 = arith.muli %add3A_418, %mul3A_420 : vector<16xi32>
    %broadcast_in_dim3A_422 = arith.constant 0.000000e+00 : f32
    %broadcast_in_dim3A_423 = vector.broadcast %broadcast_in_dim3A_422 : f32 to vector<16xf32>
    %scan3A_424 = arith.constant 0 : i32
    %scan3A_425 = arith.constant 200 : i32
    %scan3A_426 = arith.addi %scan3A_424, %scan3A_425 : i32
    %scan3A_427 = arith.constant 1 : i32
    %scan3A_428 = scf.for %scan3A_1101 = %scan3A_424 to %scan3A_426 step %scan3A_427 iter_args(%scan3A_1102 = %broadcast_in_dim3A_423) -> (vector<16xf32>)  : i32 {
      %add3A_1103 = vector.broadcast %scan3A_1101 : i32 to vector<16xi32>
      %add3A_1104 = arith.addi %mul3A_421, %add3A_1103 : vector<16xi32>
      %gather3A = tpu.vector_load_idx %arg7[%add3A_1104] : memref<12800xf32, #tpu.memory_space<vmem>>[vector<16xi32>], vector<16xf32>,
      %add3A_1105 = arith.addf %scan3A_1102, %gather3A : vector<16xf32>
      scf.yield %add3A_1105 : vector<16xf32>
    }
    %scan3A_429 = arith.constant 200 : i32
    %mul3A_430 = arith.constant 5.000000e-03 : f32
    %mul3A_431 = vector.broadcast %mul3A_430 : f32 to vector<16xf32>
    %mul3A_432 = arith.mulf %scan3A_428, %mul3A_431 : vector<16xf32>
    %get3A_433 = arith.constant 0 : index
    %get3A_434 = tpu.vector_load %arg9[%get3A_433] {strides = array<i32>} : memref<16xf32, #tpu.memory_space<vmem>>, vector<16xf32>,
    %add3A_435 = arith.addf %mul3A_432, %get3A_434 : vector<16xf32>
    %neg3A_436 = arith.constant 0.000000e+00 : f32
    %neg3A_437 = vector.broadcast %neg3A_436 : f32 to vector<16xf32>
    %neg3A_438 = arith.subf %neg3A_437, %add3A_435 : vector<16xf32>
    %exp3A_439 = math.exp %neg3A_438 : vector<16xf32>
    %add3A_440 = arith.constant 1.000000e+00 : f32
    %add3A_441 = vector.broadcast %add3A_440 : f32 to vector<16xf32>
    %add3A_442 = arith.addf %add3A_441, %exp3A_439 : vector<16xf32>
    %div3A_443 = arith.constant 1.000000e+00 : f32
    %div3A_444 = vector.broadcast %div3A_443 : f32 to vector<16xf32>
    %div3A_445 = arith.divf %div3A_444, %add3A_442 : vector<16xf32>
    %swap3A_446 = arith.constant 192 : index
    %swap3A_447 = tpu.vector_load %arg8[%swap3A_446] {strides = array<i32>} : memref<512xf32, #tpu.memory_space<vmem>>, vector<16xf32>,
    tpu.vector_store %arg8[%swap3A_446], %div3A_445 {strides = array<i32>} : memref<512xf32, #tpu.memory_space<vmem>>, vector<16xf32>,
    %iota3A_448 = tpu.iota {dimensions = array<i32: 0>} : vector<16xi32>
    %add3A_449 = arith.constant 16 : i32
    %add3A_450 = vector.broadcast %add3A_449 : i32 to vector<16xi32>
    %add3A_451 = arith.addi %iota3A_448, %add3A_450 : vector<16xi32>
    %mul3A_452 = arith.constant 200 : i32
    %mul3A_453 = vector.broadcast %mul3A_452 : i32 to vector<16xi32>
    %mul3A_454 = arith.muli %add3A_451, %mul3A_453 : vector<16xi32>
    %broadcast_in_dim3A_455 = arith.constant 0.000000e+00 : f32
    %broadcast_in_dim3A_456 = vector.broadcast %broadcast_in_dim3A_455 : f32 to vector<16xf32>
    %scan3A_457 = arith.constant 0 : i32
    %scan3A_458 = arith.constant 200 : i32
    %scan3A_459 = arith.addi %scan3A_457, %scan3A_458 : i32
    %scan3A_460 = arith.constant 1 : i32
    %scan3A_461 = scf.for %scan3A_1101 = %scan3A_457 to %scan3A_459 step %scan3A_460 iter_args(%scan3A_1102 = %broadcast_in_dim3A_456) -> (vector<16xf32>)  : i32 {
      %add3A_1103 = vector.broadcast %scan3A_1101 : i32 to vector<16xi32>
      %add3A_1104 = arith.addi %mul3A_454, %add3A_1103 : vector<16xi32>
      %gather3A = tpu.vector_load_idx %arg7[%add3A_1104] : memref<12800xf32, #tpu.memory_space<vmem>>[vector<16xi32>], vector<16xf32>,
      %add3A_1105 = arith.addf %scan3A_1102, %gather3A : vector<16xf32>
      scf.yield %add3A_1105 : vector<16xf32>
    }
    %scan3A_462 = arith.constant 200 : i32
    %mul3A_463 = arith.constant 5.000000e-03 : f32
    %mul3A_464 = vector.broadcast %mul3A_463 : f32 to vector<16xf32>
    %mul3A_465 = arith.mulf %scan3A_461, %mul3A_464 : vector<16xf32>
    %get3A_466 = arith.constant 0 : index
    %get3A_467 = tpu.vector_load %arg9[%get3A_466] {strides = array<i32>} : memref<16xf32, #tpu.memory_space<vmem>>, vector<16xf32>,
    %add3A_468 = arith.addf %mul3A_465, %get3A_467 : vector<16xf32>
    %neg3A_469 = arith.constant 0.000000e+00 : f32
    %neg3A_470 = vector.broadcast %neg3A_469 : f32 to vector<16xf32>
    %neg3A_471 = arith.subf %neg3A_470, %add3A_468 : vector<16xf32>
    %exp3A_472 = math.exp %neg3A_471 : vector<16xf32>
    %add3A_473 = arith.constant 1.000000e+00 : f32
    %add3A_474 = vector.broadcast %add3A_473 : f32 to vector<16xf32>
    %add3A_475 = arith.addf %add3A_474, %exp3A_472 : vector<16xf32>
    %div3A_476 = arith.constant 1.000000e+00 : f32
    %div3A_477 = vector.broadcast %div3A_476 : f32 to vector<16xf32>
    %div3A_478 = arith.divf %div3A_477, %add3A_475 : vector<16xf32>
    %swap3A_479 = arith.constant 208 : index
    %swap3A_480 = tpu.vector_load %arg8[%swap3A_479] {strides = array<i32>} : memref<512xf32, #tpu.memory_space<vmem>>, vector<16xf32>,
    tpu.vector_store %arg8[%swap3A_479], %div3A_478 {strides = array<i32>} : memref<512xf32, #tpu.memory_space<vmem>>, vector<16xf32>,
    %iota3A_481 = tpu.iota {dimensions = array<i32: 0>} : vector<16xi32>
    %add3A_482 = arith.constant 32 : i32
    %add3A_483 = vector.broadcast %add3A_482 : i32 to vector<16xi32>
    %add3A_484 = arith.addi %iota3A_481, %add3A_483 : vector<16xi32>
    %mul3A_485 = arith.constant 200 : i32
    %mul3A_486 = vector.broadcast %mul3A_485 : i32 to vector<16xi32>
    %mul3A_487 = arith.muli %add3A_484, %mul3A_486 : vector<16xi32>
    %broadcast_in_dim3A_488 = arith.constant 0.000000e+00 : f32
    %broadcast_in_dim3A_489 = vector.broadcast %broadcast_in_dim3A_488 : f32 to vector<16xf32>
    %scan3A_490 = arith.constant 0 : i32
    %scan3A_491 = arith.constant 200 : i32
    %scan3A_492 = arith.addi %scan3A_490, %scan3A_491 : i32
    %scan3A_493 = arith.constant 1 : i32
    %scan3A_494 = scf.for %scan3A_1101 = %scan3A_490 to %scan3A_492 step %scan3A_493 iter_args(%scan3A_1102 = %broadcast_in_dim3A_489) -> (vector<16xf32>)  : i32 {
      %add3A_1103 = vector.broadcast %scan3A_1101 : i32 to vector<16xi32>
      %add3A_1104 = arith.addi %mul3A_487, %add3A_1103 : vector<16xi32>
      %gather3A = tpu.vector_load_idx %arg7[%add3A_1104] : memref<12800xf32, #tpu.memory_space<vmem>>[vector<16xi32>], vector<16xf32>,
      %add3A_1105 = arith.addf %scan3A_1102, %gather3A : vector<16xf32>
      scf.yield %add3A_1105 : vector<16xf32>
    }
    %scan3A_495 = arith.constant 200 : i32
    %mul3A_496 = arith.constant 5.000000e-03 : f32
    %mul3A_497 = vector.broadcast %mul3A_496 : f32 to vector<16xf32>
    %mul3A_498 = arith.mulf %scan3A_494, %mul3A_497 : vector<16xf32>
    %get3A_499 = arith.constant 0 : index
    %get3A_500 = tpu.vector_load %arg9[%get3A_499] {strides = array<i32>} : memref<16xf32, #tpu.memory_space<vmem>>, vector<16xf32>,
    %add3A_501 = arith.addf %mul3A_498, %get3A_500 : vector<16xf32>
    %neg3A_502 = arith.constant 0.000000e+00 : f32
    %neg3A_503 = vector.broadcast %neg3A_502 : f32 to vector<16xf32>
    %neg3A_504 = arith.subf %neg3A_503, %add3A_501 : vector<16xf32>
    %exp3A_505 = math.exp %neg3A_504 : vector<16xf32>
    %add3A_506 = arith.constant 1.000000e+00 : f32
    %add3A_507 = vector.broadcast %add3A_506 : f32 to vector<16xf32>
    %add3A_508 = arith.addf %add3A_507, %exp3A_505 : vector<16xf32>
    %div3A_509 = arith.constant 1.000000e+00 : f32
    %div3A_510 = vector.broadcast %div3A_509 : f32 to vector<16xf32>
    %div3A_511 = arith.divf %div3A_510, %add3A_508 : vector<16xf32>
    %swap3A_512 = arith.constant 224 : index
    %swap3A_513 = tpu.vector_load %arg8[%swap3A_512] {strides = array<i32>} : memref<512xf32, #tpu.memory_space<vmem>>, vector<16xf32>,
    tpu.vector_store %arg8[%swap3A_512], %div3A_511 {strides = array<i32>} : memref<512xf32, #tpu.memory_space<vmem>>, vector<16xf32>,
    %iota3A_514 = tpu.iota {dimensions = array<i32: 0>} : vector<16xi32>
    %add3A_515 = arith.constant 48 : i32
    %add3A_516 = vector.broadcast %add3A_515 : i32 to vector<16xi32>
    %add3A_517 = arith.addi %iota3A_514, %add3A_516 : vector<16xi32>
    %mul3A_518 = arith.constant 200 : i32
    %mul3A_519 = vector.broadcast %mul3A_518 : i32 to vector<16xi32>
    %mul3A_520 = arith.muli %add3A_517, %mul3A_519 : vector<16xi32>
    %broadcast_in_dim3A_521 = arith.constant 0.000000e+00 : f32
    %broadcast_in_dim3A_522 = vector.broadcast %broadcast_in_dim3A_521 : f32 to vector<16xf32>
    %scan3A_523 = arith.constant 0 : i32
    %scan3A_524 = arith.constant 200 : i32
    %scan3A_525 = arith.addi %scan3A_523, %scan3A_524 : i32
    %scan3A_526 = arith.constant 1 : i32
    %scan3A_527 = scf.for %scan3A_1101 = %scan3A_523 to %scan3A_525 step %scan3A_526 iter_args(%scan3A_1102 = %broadcast_in_dim3A_522) -> (vector<16xf32>)  : i32 {
      %add3A_1103 = vector.broadcast %scan3A_1101 : i32 to vector<16xi32>
      %add3A_1104 = arith.addi %mul3A_520, %add3A_1103 : vector<16xi32>
      %gather3A = tpu.vector_load_idx %arg7[%add3A_1104] : memref<12800xf32, #tpu.memory_space<vmem>>[vector<16xi32>], vector<16xf32>,
      %add3A_1105 = arith.addf %scan3A_1102, %gather3A : vector<16xf32>
      scf.yield %add3A_1105 : vector<16xf32>
    }
    %scan3A_528 = arith.constant 200 : i32
    %mul3A_529 = arith.constant 5.000000e-03 : f32
    %mul3A_530 = vector.broadcast %mul3A_529 : f32 to vector<16xf32>
    %mul3A_531 = arith.mulf %scan3A_527, %mul3A_530 : vector<16xf32>
    %get3A_532 = arith.constant 0 : index
    %get3A_533 = tpu.vector_load %arg9[%get3A_532] {strides = array<i32>} : memref<16xf32, #tpu.memory_space<vmem>>, vector<16xf32>,
    %add3A_534 = arith.addf %mul3A_531, %get3A_533 : vector<16xf32>
    %neg3A_535 = arith.constant 0.000000e+00 : f32
    %neg3A_536 = vector.broadcast %neg3A_535 : f32 to vector<16xf32>
    %neg3A_537 = arith.subf %neg3A_536, %add3A_534 : vector<16xf32>
    %exp3A_538 = math.exp %neg3A_537 : vector<16xf32>
    %add3A_539 = arith.constant 1.000000e+00 : f32
    %add3A_540 = vector.broadcast %add3A_539 : f32 to vector<16xf32>
    %add3A_541 = arith.addf %add3A_540, %exp3A_538 : vector<16xf32>
    %div3A_542 = arith.constant 1.000000e+00 : f32
    %div3A_543 = vector.broadcast %div3A_542 : f32 to vector<16xf32>
    %div3A_544 = arith.divf %div3A_543, %add3A_541 : vector<16xf32>
    %swap3A_545 = arith.constant 240 : index
    %swap3A_546 = tpu.vector_load %arg8[%swap3A_545] {strides = array<i32>} : memref<512xf32, #tpu.memory_space<vmem>>, vector<16xf32>,
    tpu.vector_store %arg8[%swap3A_545], %div3A_544 {strides = array<i32>} : memref<512xf32, #tpu.memory_space<vmem>>, vector<16xf32>,
    %add3A_547 = arith.constant 51200 : i32
    %add3A_548 = arith.addi %mul3A_4, %add3A_547 : i32
    "tpu.region"() ({
      %run_scoped3A = tpu.sem_alloc : memref<!tpu.dma_semaphore, #tpu.memory_space<semaphore_mem>>
      %dma_start3A_1101 = tpu.memref_slice %arg2[%add3A_548] : memref<3276800xi32, #tpu.memory_space<hbm>> -> memref<12800xi32, #tpu.memory_space<hbm>>
      %dma_start3A_1102 = tpu.memref_slice %arg2[%add3A_548] : memref<3276800xi32, #tpu.memory_space<hbm>> -> memref<12800xi32, #tpu.memory_space<hbm>>
      tpu.enqueue_dma source(%dma_start3A_1102 : memref<12800xi32, #tpu.memory_space<hbm>>) target(%arg6 : memref<12800xi32, #tpu.memory_space<vmem>>) target_semaphore(%run_scoped3A : memref<!tpu.dma_semaphore, #tpu.memory_space<semaphore_mem>>)
      %dma_wait3A_1103 = tpu.memref_slice %arg2[%add3A_548] : memref<3276800xi32, #tpu.memory_space<hbm>> -> memref<12800xi32, #tpu.memory_space<hbm>>
      %dma_wait3A_1104 = tpu.memref_slice %arg2[%add3A_548] : memref<3276800xi32, #tpu.memory_space<hbm>> -> memref<12800xi32, #tpu.memory_space<hbm>>
      tpu.wait_dma2 semaphore(%run_scoped3A : memref<!tpu.dma_semaphore, #tpu.memory_space<semaphore_mem>>) src(%dma_wait3A_1104 : memref<12800xi32, #tpu.memory_space<hbm>>) dst(%arg6 : memref<12800xi32, #tpu.memory_space<vmem>>)
      tpu.yield
    }) : () -> ()
    %dma_start3A_549 = arith.constant 0 : i32
    %dma_start3A_550 = tpu.memref_slice %arg3[%dma_start3A_549] : memref<1000000xf32, #tpu.memory_space<hbm>> -> memref<1000000xf32, #tpu.memory_space<hbm>>
    tpu.enqueue_indirect_dma source(%dma_start3A_550 : memref<1000000xf32, #tpu.memory_space<hbm>>) target(%arg7 : memref<12800xf32, #tpu.memory_space<vmem>>) offsets(%arg6 : memref<12800xi32, #tpu.memory_space<vmem>>) semaphore(%arg10 : memref<!tpu.dma_semaphore, #tpu.memory_space<semaphore_mem>>)
    %dma_wait3A_551 = arith.constant 0 : i32
    %dma_wait3A_552 = tpu.memref_slice %arg3[%dma_wait3A_551] : memref<1000000xf32, #tpu.memory_space<hbm>> -> memref<1000000xf32, #tpu.memory_space<hbm>>
    tpu.wait_indirect_dma semaphore(%arg10 : memref<!tpu.dma_semaphore, #tpu.memory_space<semaphore_mem>>) src(%dma_wait3A_552 : memref<1000000xf32, #tpu.memory_space<hbm>>) dst(%arg7 : memref<12800xf32, #tpu.memory_space<vmem>>)
    %iota3A_553 = tpu.iota {dimensions = array<i32: 0>} : vector<16xi32>
    %add3A_554 = arith.constant 0 : i32
    %add3A_555 = vector.broadcast %add3A_554 : i32 to vector<16xi32>
    %add3A_556 = arith.addi %iota3A_553, %add3A_555 : vector<16xi32>
    %mul3A_557 = arith.constant 200 : i32
    %mul3A_558 = vector.broadcast %mul3A_557 : i32 to vector<16xi32>
    %mul3A_559 = arith.muli %add3A_556, %mul3A_558 : vector<16xi32>
    %broadcast_in_dim3A_560 = arith.constant 0.000000e+00 : f32
    %broadcast_in_dim3A_561 = vector.broadcast %broadcast_in_dim3A_560 : f32 to vector<16xf32>
    %scan3A_562 = arith.constant 0 : i32
    %scan3A_563 = arith.constant 200 : i32
    %scan3A_564 = arith.addi %scan3A_562, %scan3A_563 : i32
    %scan3A_565 = arith.constant 1 : i32
    %scan3A_566 = scf.for %scan3A_1101 = %scan3A_562 to %scan3A_564 step %scan3A_565 iter_args(%scan3A_1102 = %broadcast_in_dim3A_561) -> (vector<16xf32>)  : i32 {
      %add3A_1103 = vector.broadcast %scan3A_1101 : i32 to vector<16xi32>
      %add3A_1104 = arith.addi %mul3A_559, %add3A_1103 : vector<16xi32>
      %gather3A = tpu.vector_load_idx %arg7[%add3A_1104] : memref<12800xf32, #tpu.memory_space<vmem>>[vector<16xi32>], vector<16xf32>,
      %add3A_1105 = arith.addf %scan3A_1102, %gather3A : vector<16xf32>
      scf.yield %add3A_1105 : vector<16xf32>
    }
    %scan3A_567 = arith.constant 200 : i32
    %mul3A_568 = arith.constant 5.000000e-03 : f32
    %mul3A_569 = vector.broadcast %mul3A_568 : f32 to vector<16xf32>
    %mul3A_570 = arith.mulf %scan3A_566, %mul3A_569 : vector<16xf32>
    %get3A_571 = arith.constant 0 : index
    %get3A_572 = tpu.vector_load %arg9[%get3A_571] {strides = array<i32>} : memref<16xf32, #tpu.memory_space<vmem>>, vector<16xf32>,
    %add3A_573 = arith.addf %mul3A_570, %get3A_572 : vector<16xf32>
    %neg3A_574 = arith.constant 0.000000e+00 : f32
    %neg3A_575 = vector.broadcast %neg3A_574 : f32 to vector<16xf32>
    %neg3A_576 = arith.subf %neg3A_575, %add3A_573 : vector<16xf32>
    %exp3A_577 = math.exp %neg3A_576 : vector<16xf32>
    %add3A_578 = arith.constant 1.000000e+00 : f32
    %add3A_579 = vector.broadcast %add3A_578 : f32 to vector<16xf32>
    %add3A_580 = arith.addf %add3A_579, %exp3A_577 : vector<16xf32>
    %div3A_581 = arith.constant 1.000000e+00 : f32
    %div3A_582 = vector.broadcast %div3A_581 : f32 to vector<16xf32>
    %div3A_583 = arith.divf %div3A_582, %add3A_580 : vector<16xf32>
    %swap3A_584 = arith.constant 256 : index
    %swap3A_585 = tpu.vector_load %arg8[%swap3A_584] {strides = array<i32>} : memref<512xf32, #tpu.memory_space<vmem>>, vector<16xf32>,
    tpu.vector_store %arg8[%swap3A_584], %div3A_583 {strides = array<i32>} : memref<512xf32, #tpu.memory_space<vmem>>, vector<16xf32>,
    %iota3A_586 = tpu.iota {dimensions = array<i32: 0>} : vector<16xi32>
    %add3A_587 = arith.constant 16 : i32
    %add3A_588 = vector.broadcast %add3A_587 : i32 to vector<16xi32>
    %add3A_589 = arith.addi %iota3A_586, %add3A_588 : vector<16xi32>
    %mul3A_590 = arith.constant 200 : i32
    %mul3A_591 = vector.broadcast %mul3A_590 : i32 to vector<16xi32>
    %mul3A_592 = arith.muli %add3A_589, %mul3A_591 : vector<16xi32>
    %broadcast_in_dim3A_593 = arith.constant 0.000000e+00 : f32
    %broadcast_in_dim3A_594 = vector.broadcast %broadcast_in_dim3A_593 : f32 to vector<16xf32>
    %scan3A_595 = arith.constant 0 : i32
    %scan3A_596 = arith.constant 200 : i32
    %scan3A_597 = arith.addi %scan3A_595, %scan3A_596 : i32
    %scan3A_598 = arith.constant 1 : i32
    %scan3A_599 = scf.for %scan3A_1101 = %scan3A_595 to %scan3A_597 step %scan3A_598 iter_args(%scan3A_1102 = %broadcast_in_dim3A_594) -> (vector<16xf32>)  : i32 {
      %add3A_1103 = vector.broadcast %scan3A_1101 : i32 to vector<16xi32>
      %add3A_1104 = arith.addi %mul3A_592, %add3A_1103 : vector<16xi32>
      %gather3A = tpu.vector_load_idx %arg7[%add3A_1104] : memref<12800xf32, #tpu.memory_space<vmem>>[vector<16xi32>], vector<16xf32>,
      %add3A_1105 = arith.addf %scan3A_1102, %gather3A : vector<16xf32>
      scf.yield %add3A_1105 : vector<16xf32>
    }
    %scan3A_600 = arith.constant 200 : i32
    %mul3A_601 = arith.constant 5.000000e-03 : f32
    %mul3A_602 = vector.broadcast %mul3A_601 : f32 to vector<16xf32>
    %mul3A_603 = arith.mulf %scan3A_599, %mul3A_602 : vector<16xf32>
    %get3A_604 = arith.constant 0 : index
    %get3A_605 = tpu.vector_load %arg9[%get3A_604] {strides = array<i32>} : memref<16xf32, #tpu.memory_space<vmem>>, vector<16xf32>,
    %add3A_606 = arith.addf %mul3A_603, %get3A_605 : vector<16xf32>
    %neg3A_607 = arith.constant 0.000000e+00 : f32
    %neg3A_608 = vector.broadcast %neg3A_607 : f32 to vector<16xf32>
    %neg3A_609 = arith.subf %neg3A_608, %add3A_606 : vector<16xf32>
    %exp3A_610 = math.exp %neg3A_609 : vector<16xf32>
    %add3A_611 = arith.constant 1.000000e+00 : f32
    %add3A_612 = vector.broadcast %add3A_611 : f32 to vector<16xf32>
    %add3A_613 = arith.addf %add3A_612, %exp3A_610 : vector<16xf32>
    %div3A_614 = arith.constant 1.000000e+00 : f32
    %div3A_615 = vector.broadcast %div3A_614 : f32 to vector<16xf32>
    %div3A_616 = arith.divf %div3A_615, %add3A_613 : vector<16xf32>
    %swap3A_617 = arith.constant 272 : index
    %swap3A_618 = tpu.vector_load %arg8[%swap3A_617] {strides = array<i32>} : memref<512xf32, #tpu.memory_space<vmem>>, vector<16xf32>,
    tpu.vector_store %arg8[%swap3A_617], %div3A_616 {strides = array<i32>} : memref<512xf32, #tpu.memory_space<vmem>>, vector<16xf32>,
    %iota3A_619 = tpu.iota {dimensions = array<i32: 0>} : vector<16xi32>
    %add3A_620 = arith.constant 32 : i32
    %add3A_621 = vector.broadcast %add3A_620 : i32 to vector<16xi32>
    %add3A_622 = arith.addi %iota3A_619, %add3A_621 : vector<16xi32>
    %mul3A_623 = arith.constant 200 : i32
    %mul3A_624 = vector.broadcast %mul3A_623 : i32 to vector<16xi32>
    %mul3A_625 = arith.muli %add3A_622, %mul3A_624 : vector<16xi32>
    %broadcast_in_dim3A_626 = arith.constant 0.000000e+00 : f32
    %broadcast_in_dim3A_627 = vector.broadcast %broadcast_in_dim3A_626 : f32 to vector<16xf32>
    %scan3A_628 = arith.constant 0 : i32
    %scan3A_629 = arith.constant 200 : i32
    %scan3A_630 = arith.addi %scan3A_628, %scan3A_629 : i32
    %scan3A_631 = arith.constant 1 : i32
    %scan3A_632 = scf.for %scan3A_1101 = %scan3A_628 to %scan3A_630 step %scan3A_631 iter_args(%scan3A_1102 = %broadcast_in_dim3A_627) -> (vector<16xf32>)  : i32 {
      %add3A_1103 = vector.broadcast %scan3A_1101 : i32 to vector<16xi32>
      %add3A_1104 = arith.addi %mul3A_625, %add3A_1103 : vector<16xi32>
      %gather3A = tpu.vector_load_idx %arg7[%add3A_1104] : memref<12800xf32, #tpu.memory_space<vmem>>[vector<16xi32>], vector<16xf32>,
      %add3A_1105 = arith.addf %scan3A_1102, %gather3A : vector<16xf32>
      scf.yield %add3A_1105 : vector<16xf32>
    }
    %scan3A_633 = arith.constant 200 : i32
    %mul3A_634 = arith.constant 5.000000e-03 : f32
    %mul3A_635 = vector.broadcast %mul3A_634 : f32 to vector<16xf32>
    %mul3A_636 = arith.mulf %scan3A_632, %mul3A_635 : vector<16xf32>
    %get3A_637 = arith.constant 0 : index
    %get3A_638 = tpu.vector_load %arg9[%get3A_637] {strides = array<i32>} : memref<16xf32, #tpu.memory_space<vmem>>, vector<16xf32>,
    %add3A_639 = arith.addf %mul3A_636, %get3A_638 : vector<16xf32>
    %neg3A_640 = arith.constant 0.000000e+00 : f32
    %neg3A_641 = vector.broadcast %neg3A_640 : f32 to vector<16xf32>
    %neg3A_642 = arith.subf %neg3A_641, %add3A_639 : vector<16xf32>
    %exp3A_643 = math.exp %neg3A_642 : vector<16xf32>
    %add3A_644 = arith.constant 1.000000e+00 : f32
    %add3A_645 = vector.broadcast %add3A_644 : f32 to vector<16xf32>
    %add3A_646 = arith.addf %add3A_645, %exp3A_643 : vector<16xf32>
    %div3A_647 = arith.constant 1.000000e+00 : f32
    %div3A_648 = vector.broadcast %div3A_647 : f32 to vector<16xf32>
    %div3A_649 = arith.divf %div3A_648, %add3A_646 : vector<16xf32>
    %swap3A_650 = arith.constant 288 : index
    %swap3A_651 = tpu.vector_load %arg8[%swap3A_650] {strides = array<i32>} : memref<512xf32, #tpu.memory_space<vmem>>, vector<16xf32>,
    tpu.vector_store %arg8[%swap3A_650], %div3A_649 {strides = array<i32>} : memref<512xf32, #tpu.memory_space<vmem>>, vector<16xf32>,
    %iota3A_652 = tpu.iota {dimensions = array<i32: 0>} : vector<16xi32>
    %add3A_653 = arith.constant 48 : i32
    %add3A_654 = vector.broadcast %add3A_653 : i32 to vector<16xi32>
    %add3A_655 = arith.addi %iota3A_652, %add3A_654 : vector<16xi32>
    %mul3A_656 = arith.constant 200 : i32
    %mul3A_657 = vector.broadcast %mul3A_656 : i32 to vector<16xi32>
    %mul3A_658 = arith.muli %add3A_655, %mul3A_657 : vector<16xi32>
    %broadcast_in_dim3A_659 = arith.constant 0.000000e+00 : f32
    %broadcast_in_dim3A_660 = vector.broadcast %broadcast_in_dim3A_659 : f32 to vector<16xf32>
    %scan3A_661 = arith.constant 0 : i32
    %scan3A_662 = arith.constant 200 : i32
    %scan3A_663 = arith.addi %scan3A_661, %scan3A_662 : i32
    %scan3A_664 = arith.constant 1 : i32
    %scan3A_665 = scf.for %scan3A_1101 = %scan3A_661 to %scan3A_663 step %scan3A_664 iter_args(%scan3A_1102 = %broadcast_in_dim3A_660) -> (vector<16xf32>)  : i32 {
      %add3A_1103 = vector.broadcast %scan3A_1101 : i32 to vector<16xi32>
      %add3A_1104 = arith.addi %mul3A_658, %add3A_1103 : vector<16xi32>
      %gather3A = tpu.vector_load_idx %arg7[%add3A_1104] : memref<12800xf32, #tpu.memory_space<vmem>>[vector<16xi32>], vector<16xf32>,
      %add3A_1105 = arith.addf %scan3A_1102, %gather3A : vector<16xf32>
      scf.yield %add3A_1105 : vector<16xf32>
    }
    %scan3A_666 = arith.constant 200 : i32
    %mul3A_667 = arith.constant 5.000000e-03 : f32
    %mul3A_668 = vector.broadcast %mul3A_667 : f32 to vector<16xf32>
    %mul3A_669 = arith.mulf %scan3A_665, %mul3A_668 : vector<16xf32>
    %get3A_670 = arith.constant 0 : index
    %get3A_671 = tpu.vector_load %arg9[%get3A_670] {strides = array<i32>} : memref<16xf32, #tpu.memory_space<vmem>>, vector<16xf32>,
    %add3A_672 = arith.addf %mul3A_669, %get3A_671 : vector<16xf32>
    %neg3A_673 = arith.constant 0.000000e+00 : f32
    %neg3A_674 = vector.broadcast %neg3A_673 : f32 to vector<16xf32>
    %neg3A_675 = arith.subf %neg3A_674, %add3A_672 : vector<16xf32>
    %exp3A_676 = math.exp %neg3A_675 : vector<16xf32>
    %add3A_677 = arith.constant 1.000000e+00 : f32
    %add3A_678 = vector.broadcast %add3A_677 : f32 to vector<16xf32>
    %add3A_679 = arith.addf %add3A_678, %exp3A_676 : vector<16xf32>
    %div3A_680 = arith.constant 1.000000e+00 : f32
    %div3A_681 = vector.broadcast %div3A_680 : f32 to vector<16xf32>
    %div3A_682 = arith.divf %div3A_681, %add3A_679 : vector<16xf32>
    %swap3A_683 = arith.constant 304 : index
    %swap3A_684 = tpu.vector_load %arg8[%swap3A_683] {strides = array<i32>} : memref<512xf32, #tpu.memory_space<vmem>>, vector<16xf32>,
    tpu.vector_store %arg8[%swap3A_683], %div3A_682 {strides = array<i32>} : memref<512xf32, #tpu.memory_space<vmem>>, vector<16xf32>,
    %add3A_685 = arith.constant 64000 : i32
    %add3A_686 = arith.addi %mul3A_4, %add3A_685 : i32
    "tpu.region"() ({
      %run_scoped3A = tpu.sem_alloc : memref<!tpu.dma_semaphore, #tpu.memory_space<semaphore_mem>>
      %dma_start3A_1101 = tpu.memref_slice %arg2[%add3A_686] : memref<3276800xi32, #tpu.memory_space<hbm>> -> memref<12800xi32, #tpu.memory_space<hbm>>
      %dma_start3A_1102 = tpu.memref_slice %arg2[%add3A_686] : memref<3276800xi32, #tpu.memory_space<hbm>> -> memref<12800xi32, #tpu.memory_space<hbm>>
      tpu.enqueue_dma source(%dma_start3A_1102 : memref<12800xi32, #tpu.memory_space<hbm>>) target(%arg6 : memref<12800xi32, #tpu.memory_space<vmem>>) target_semaphore(%run_scoped3A : memref<!tpu.dma_semaphore, #tpu.memory_space<semaphore_mem>>)
      %dma_wait3A_1103 = tpu.memref_slice %arg2[%add3A_686] : memref<3276800xi32, #tpu.memory_space<hbm>> -> memref<12800xi32, #tpu.memory_space<hbm>>
      %dma_wait3A_1104 = tpu.memref_slice %arg2[%add3A_686] : memref<3276800xi32, #tpu.memory_space<hbm>> -> memref<12800xi32, #tpu.memory_space<hbm>>
      tpu.wait_dma2 semaphore(%run_scoped3A : memref<!tpu.dma_semaphore, #tpu.memory_space<semaphore_mem>>) src(%dma_wait3A_1104 : memref<12800xi32, #tpu.memory_space<hbm>>) dst(%arg6 : memref<12800xi32, #tpu.memory_space<vmem>>)
      tpu.yield
    }) : () -> ()
    %dma_start3A_687 = arith.constant 0 : i32
    %dma_start3A_688 = tpu.memref_slice %arg3[%dma_start3A_687] : memref<1000000xf32, #tpu.memory_space<hbm>> -> memref<1000000xf32, #tpu.memory_space<hbm>>
    tpu.enqueue_indirect_dma source(%dma_start3A_688 : memref<1000000xf32, #tpu.memory_space<hbm>>) target(%arg7 : memref<12800xf32, #tpu.memory_space<vmem>>) offsets(%arg6 : memref<12800xi32, #tpu.memory_space<vmem>>) semaphore(%arg10 : memref<!tpu.dma_semaphore, #tpu.memory_space<semaphore_mem>>)
    %dma_wait3A_689 = arith.constant 0 : i32
    %dma_wait3A_690 = tpu.memref_slice %arg3[%dma_wait3A_689] : memref<1000000xf32, #tpu.memory_space<hbm>> -> memref<1000000xf32, #tpu.memory_space<hbm>>
    tpu.wait_indirect_dma semaphore(%arg10 : memref<!tpu.dma_semaphore, #tpu.memory_space<semaphore_mem>>) src(%dma_wait3A_690 : memref<1000000xf32, #tpu.memory_space<hbm>>) dst(%arg7 : memref<12800xf32, #tpu.memory_space<vmem>>)
    %iota3A_691 = tpu.iota {dimensions = array<i32: 0>} : vector<16xi32>
    %add3A_692 = arith.constant 0 : i32
    %add3A_693 = vector.broadcast %add3A_692 : i32 to vector<16xi32>
    %add3A_694 = arith.addi %iota3A_691, %add3A_693 : vector<16xi32>
    %mul3A_695 = arith.constant 200 : i32
    %mul3A_696 = vector.broadcast %mul3A_695 : i32 to vector<16xi32>
    %mul3A_697 = arith.muli %add3A_694, %mul3A_696 : vector<16xi32>
    %broadcast_in_dim3A_698 = arith.constant 0.000000e+00 : f32
    %broadcast_in_dim3A_699 = vector.broadcast %broadcast_in_dim3A_698 : f32 to vector<16xf32>
    %scan3A_700 = arith.constant 0 : i32
    %scan3A_701 = arith.constant 200 : i32
    %scan3A_702 = arith.addi %scan3A_700, %scan3A_701 : i32
    %scan3A_703 = arith.constant 1 : i32
    %scan3A_704 = scf.for %scan3A_1101 = %scan3A_700 to %scan3A_702 step %scan3A_703 iter_args(%scan3A_1102 = %broadcast_in_dim3A_699) -> (vector<16xf32>)  : i32 {
      %add3A_1103 = vector.broadcast %scan3A_1101 : i32 to vector<16xi32>
      %add3A_1104 = arith.addi %mul3A_697, %add3A_1103 : vector<16xi32>
      %gather3A = tpu.vector_load_idx %arg7[%add3A_1104] : memref<12800xf32, #tpu.memory_space<vmem>>[vector<16xi32>], vector<16xf32>,
      %add3A_1105 = arith.addf %scan3A_1102, %gather3A : vector<16xf32>
      scf.yield %add3A_1105 : vector<16xf32>
    }
    %scan3A_705 = arith.constant 200 : i32
    %mul3A_706 = arith.constant 5.000000e-03 : f32
    %mul3A_707 = vector.broadcast %mul3A_706 : f32 to vector<16xf32>
    %mul3A_708 = arith.mulf %scan3A_704, %mul3A_707 : vector<16xf32>
    %get3A_709 = arith.constant 0 : index
    %get3A_710 = tpu.vector_load %arg9[%get3A_709] {strides = array<i32>} : memref<16xf32, #tpu.memory_space<vmem>>, vector<16xf32>,
    %add3A_711 = arith.addf %mul3A_708, %get3A_710 : vector<16xf32>
    %neg3A_712 = arith.constant 0.000000e+00 : f32
    %neg3A_713 = vector.broadcast %neg3A_712 : f32 to vector<16xf32>
    %neg3A_714 = arith.subf %neg3A_713, %add3A_711 : vector<16xf32>
    %exp3A_715 = math.exp %neg3A_714 : vector<16xf32>
    %add3A_716 = arith.constant 1.000000e+00 : f32
    %add3A_717 = vector.broadcast %add3A_716 : f32 to vector<16xf32>
    %add3A_718 = arith.addf %add3A_717, %exp3A_715 : vector<16xf32>
    %div3A_719 = arith.constant 1.000000e+00 : f32
    %div3A_720 = vector.broadcast %div3A_719 : f32 to vector<16xf32>
    %div3A_721 = arith.divf %div3A_720, %add3A_718 : vector<16xf32>
    %swap3A_722 = arith.constant 320 : index
    %swap3A_723 = tpu.vector_load %arg8[%swap3A_722] {strides = array<i32>} : memref<512xf32, #tpu.memory_space<vmem>>, vector<16xf32>,
    tpu.vector_store %arg8[%swap3A_722], %div3A_721 {strides = array<i32>} : memref<512xf32, #tpu.memory_space<vmem>>, vector<16xf32>,
    %iota3A_724 = tpu.iota {dimensions = array<i32: 0>} : vector<16xi32>
    %add3A_725 = arith.constant 16 : i32
    %add3A_726 = vector.broadcast %add3A_725 : i32 to vector<16xi32>
    %add3A_727 = arith.addi %iota3A_724, %add3A_726 : vector<16xi32>
    %mul3A_728 = arith.constant 200 : i32
    %mul3A_729 = vector.broadcast %mul3A_728 : i32 to vector<16xi32>
    %mul3A_730 = arith.muli %add3A_727, %mul3A_729 : vector<16xi32>
    %broadcast_in_dim3A_731 = arith.constant 0.000000e+00 : f32
    %broadcast_in_dim3A_732 = vector.broadcast %broadcast_in_dim3A_731 : f32 to vector<16xf32>
    %scan3A_733 = arith.constant 0 : i32
    %scan3A_734 = arith.constant 200 : i32
    %scan3A_735 = arith.addi %scan3A_733, %scan3A_734 : i32
    %scan3A_736 = arith.constant 1 : i32
    %scan3A_737 = scf.for %scan3A_1101 = %scan3A_733 to %scan3A_735 step %scan3A_736 iter_args(%scan3A_1102 = %broadcast_in_dim3A_732) -> (vector<16xf32>)  : i32 {
      %add3A_1103 = vector.broadcast %scan3A_1101 : i32 to vector<16xi32>
      %add3A_1104 = arith.addi %mul3A_730, %add3A_1103 : vector<16xi32>
      %gather3A = tpu.vector_load_idx %arg7[%add3A_1104] : memref<12800xf32, #tpu.memory_space<vmem>>[vector<16xi32>], vector<16xf32>,
      %add3A_1105 = arith.addf %scan3A_1102, %gather3A : vector<16xf32>
      scf.yield %add3A_1105 : vector<16xf32>
    }
    %scan3A_738 = arith.constant 200 : i32
    %mul3A_739 = arith.constant 5.000000e-03 : f32
    %mul3A_740 = vector.broadcast %mul3A_739 : f32 to vector<16xf32>
    %mul3A_741 = arith.mulf %scan3A_737, %mul3A_740 : vector<16xf32>
    %get3A_742 = arith.constant 0 : index
    %get3A_743 = tpu.vector_load %arg9[%get3A_742] {strides = array<i32>} : memref<16xf32, #tpu.memory_space<vmem>>, vector<16xf32>,
    %add3A_744 = arith.addf %mul3A_741, %get3A_743 : vector<16xf32>
    %neg3A_745 = arith.constant 0.000000e+00 : f32
    %neg3A_746 = vector.broadcast %neg3A_745 : f32 to vector<16xf32>
    %neg3A_747 = arith.subf %neg3A_746, %add3A_744 : vector<16xf32>
    %exp3A_748 = math.exp %neg3A_747 : vector<16xf32>
    %add3A_749 = arith.constant 1.000000e+00 : f32
    %add3A_750 = vector.broadcast %add3A_749 : f32 to vector<16xf32>
    %add3A_751 = arith.addf %add3A_750, %exp3A_748 : vector<16xf32>
    %div3A_752 = arith.constant 1.000000e+00 : f32
    %div3A_753 = vector.broadcast %div3A_752 : f32 to vector<16xf32>
    %div3A_754 = arith.divf %div3A_753, %add3A_751 : vector<16xf32>
    %swap3A_755 = arith.constant 336 : index
    %swap3A_756 = tpu.vector_load %arg8[%swap3A_755] {strides = array<i32>} : memref<512xf32, #tpu.memory_space<vmem>>, vector<16xf32>,
    tpu.vector_store %arg8[%swap3A_755], %div3A_754 {strides = array<i32>} : memref<512xf32, #tpu.memory_space<vmem>>, vector<16xf32>,
    %iota3A_757 = tpu.iota {dimensions = array<i32: 0>} : vector<16xi32>
    %add3A_758 = arith.constant 32 : i32
    %add3A_759 = vector.broadcast %add3A_758 : i32 to vector<16xi32>
    %add3A_760 = arith.addi %iota3A_757, %add3A_759 : vector<16xi32>
    %mul3A_761 = arith.constant 200 : i32
    %mul3A_762 = vector.broadcast %mul3A_761 : i32 to vector<16xi32>
    %mul3A_763 = arith.muli %add3A_760, %mul3A_762 : vector<16xi32>
    %broadcast_in_dim3A_764 = arith.constant 0.000000e+00 : f32
    %broadcast_in_dim3A_765 = vector.broadcast %broadcast_in_dim3A_764 : f32 to vector<16xf32>
    %scan3A_766 = arith.constant 0 : i32
    %scan3A_767 = arith.constant 200 : i32
    %scan3A_768 = arith.addi %scan3A_766, %scan3A_767 : i32
    %scan3A_769 = arith.constant 1 : i32
    %scan3A_770 = scf.for %scan3A_1101 = %scan3A_766 to %scan3A_768 step %scan3A_769 iter_args(%scan3A_1102 = %broadcast_in_dim3A_765) -> (vector<16xf32>)  : i32 {
      %add3A_1103 = vector.broadcast %scan3A_1101 : i32 to vector<16xi32>
      %add3A_1104 = arith.addi %mul3A_763, %add3A_1103 : vector<16xi32>
      %gather3A = tpu.vector_load_idx %arg7[%add3A_1104] : memref<12800xf32, #tpu.memory_space<vmem>>[vector<16xi32>], vector<16xf32>,
      %add3A_1105 = arith.addf %scan3A_1102, %gather3A : vector<16xf32>
      scf.yield %add3A_1105 : vector<16xf32>
    }
    %scan3A_771 = arith.constant 200 : i32
    %mul3A_772 = arith.constant 5.000000e-03 : f32
    %mul3A_773 = vector.broadcast %mul3A_772 : f32 to vector<16xf32>
    %mul3A_774 = arith.mulf %scan3A_770, %mul3A_773 : vector<16xf32>
    %get3A_775 = arith.constant 0 : index
    %get3A_776 = tpu.vector_load %arg9[%get3A_775] {strides = array<i32>} : memref<16xf32, #tpu.memory_space<vmem>>, vector<16xf32>,
    %add3A_777 = arith.addf %mul3A_774, %get3A_776 : vector<16xf32>
    %neg3A_778 = arith.constant 0.000000e+00 : f32
    %neg3A_779 = vector.broadcast %neg3A_778 : f32 to vector<16xf32>
    %neg3A_780 = arith.subf %neg3A_779, %add3A_777 : vector<16xf32>
    %exp3A_781 = math.exp %neg3A_780 : vector<16xf32>
    %add3A_782 = arith.constant 1.000000e+00 : f32
    %add3A_783 = vector.broadcast %add3A_782 : f32 to vector<16xf32>
    %add3A_784 = arith.addf %add3A_783, %exp3A_781 : vector<16xf32>
    %div3A_785 = arith.constant 1.000000e+00 : f32
    %div3A_786 = vector.broadcast %div3A_785 : f32 to vector<16xf32>
    %div3A_787 = arith.divf %div3A_786, %add3A_784 : vector<16xf32>
    %swap3A_788 = arith.constant 352 : index
    %swap3A_789 = tpu.vector_load %arg8[%swap3A_788] {strides = array<i32>} : memref<512xf32, #tpu.memory_space<vmem>>, vector<16xf32>,
    tpu.vector_store %arg8[%swap3A_788], %div3A_787 {strides = array<i32>} : memref<512xf32, #tpu.memory_space<vmem>>, vector<16xf32>,
    %iota3A_790 = tpu.iota {dimensions = array<i32: 0>} : vector<16xi32>
    %add3A_791 = arith.constant 48 : i32
    %add3A_792 = vector.broadcast %add3A_791 : i32 to vector<16xi32>
    %add3A_793 = arith.addi %iota3A_790, %add3A_792 : vector<16xi32>
    %mul3A_794 = arith.constant 200 : i32
    %mul3A_795 = vector.broadcast %mul3A_794 : i32 to vector<16xi32>
    %mul3A_796 = arith.muli %add3A_793, %mul3A_795 : vector<16xi32>
    %broadcast_in_dim3A_797 = arith.constant 0.000000e+00 : f32
    %broadcast_in_dim3A_798 = vector.broadcast %broadcast_in_dim3A_797 : f32 to vector<16xf32>
    %scan3A_799 = arith.constant 0 : i32
    %scan3A_800 = arith.constant 200 : i32
    %scan3A_801 = arith.addi %scan3A_799, %scan3A_800 : i32
    %scan3A_802 = arith.constant 1 : i32
    %scan3A_803 = scf.for %scan3A_1101 = %scan3A_799 to %scan3A_801 step %scan3A_802 iter_args(%scan3A_1102 = %broadcast_in_dim3A_798) -> (vector<16xf32>)  : i32 {
      %add3A_1103 = vector.broadcast %scan3A_1101 : i32 to vector<16xi32>
      %add3A_1104 = arith.addi %mul3A_796, %add3A_1103 : vector<16xi32>
      %gather3A = tpu.vector_load_idx %arg7[%add3A_1104] : memref<12800xf32, #tpu.memory_space<vmem>>[vector<16xi32>], vector<16xf32>,
      %add3A_1105 = arith.addf %scan3A_1102, %gather3A : vector<16xf32>
      scf.yield %add3A_1105 : vector<16xf32>
    }
    %scan3A_804 = arith.constant 200 : i32
    %mul3A_805 = arith.constant 5.000000e-03 : f32
    %mul3A_806 = vector.broadcast %mul3A_805 : f32 to vector<16xf32>
    %mul3A_807 = arith.mulf %scan3A_803, %mul3A_806 : vector<16xf32>
    %get3A_808 = arith.constant 0 : index
    %get3A_809 = tpu.vector_load %arg9[%get3A_808] {strides = array<i32>} : memref<16xf32, #tpu.memory_space<vmem>>, vector<16xf32>,
    %add3A_810 = arith.addf %mul3A_807, %get3A_809 : vector<16xf32>
    %neg3A_811 = arith.constant 0.000000e+00 : f32
    %neg3A_812 = vector.broadcast %neg3A_811 : f32 to vector<16xf32>
    %neg3A_813 = arith.subf %neg3A_812, %add3A_810 : vector<16xf32>
    %exp3A_814 = math.exp %neg3A_813 : vector<16xf32>
    %add3A_815 = arith.constant 1.000000e+00 : f32
    %add3A_816 = vector.broadcast %add3A_815 : f32 to vector<16xf32>
    %add3A_817 = arith.addf %add3A_816, %exp3A_814 : vector<16xf32>
    %div3A_818 = arith.constant 1.000000e+00 : f32
    %div3A_819 = vector.broadcast %div3A_818 : f32 to vector<16xf32>
    %div3A_820 = arith.divf %div3A_819, %add3A_817 : vector<16xf32>
    %swap3A_821 = arith.constant 368 : index
    %swap3A_822 = tpu.vector_load %arg8[%swap3A_821] {strides = array<i32>} : memref<512xf32, #tpu.memory_space<vmem>>, vector<16xf32>,
    tpu.vector_store %arg8[%swap3A_821], %div3A_820 {strides = array<i32>} : memref<512xf32, #tpu.memory_space<vmem>>, vector<16xf32>,
    %add3A_823 = arith.constant 76800 : i32
    %add3A_824 = arith.addi %mul3A_4, %add3A_823 : i32
    "tpu.region"() ({
      %run_scoped3A = tpu.sem_alloc : memref<!tpu.dma_semaphore, #tpu.memory_space<semaphore_mem>>
      %dma_start3A_1101 = tpu.memref_slice %arg2[%add3A_824] : memref<3276800xi32, #tpu.memory_space<hbm>> -> memref<12800xi32, #tpu.memory_space<hbm>>
      %dma_start3A_1102 = tpu.memref_slice %arg2[%add3A_824] : memref<3276800xi32, #tpu.memory_space<hbm>> -> memref<12800xi32, #tpu.memory_space<hbm>>
      tpu.enqueue_dma source(%dma_start3A_1102 : memref<12800xi32, #tpu.memory_space<hbm>>) target(%arg6 : memref<12800xi32, #tpu.memory_space<vmem>>) target_semaphore(%run_scoped3A : memref<!tpu.dma_semaphore, #tpu.memory_space<semaphore_mem>>)
      %dma_wait3A_1103 = tpu.memref_slice %arg2[%add3A_824] : memref<3276800xi32, #tpu.memory_space<hbm>> -> memref<12800xi32, #tpu.memory_space<hbm>>
      %dma_wait3A_1104 = tpu.memref_slice %arg2[%add3A_824] : memref<3276800xi32, #tpu.memory_space<hbm>> -> memref<12800xi32, #tpu.memory_space<hbm>>
      tpu.wait_dma2 semaphore(%run_scoped3A : memref<!tpu.dma_semaphore, #tpu.memory_space<semaphore_mem>>) src(%dma_wait3A_1104 : memref<12800xi32, #tpu.memory_space<hbm>>) dst(%arg6 : memref<12800xi32, #tpu.memory_space<vmem>>)
      tpu.yield
    }) : () -> ()
    %dma_start3A_825 = arith.constant 0 : i32
    %dma_start3A_826 = tpu.memref_slice %arg3[%dma_start3A_825] : memref<1000000xf32, #tpu.memory_space<hbm>> -> memref<1000000xf32, #tpu.memory_space<hbm>>
    tpu.enqueue_indirect_dma source(%dma_start3A_826 : memref<1000000xf32, #tpu.memory_space<hbm>>) target(%arg7 : memref<12800xf32, #tpu.memory_space<vmem>>) offsets(%arg6 : memref<12800xi32, #tpu.memory_space<vmem>>) semaphore(%arg10 : memref<!tpu.dma_semaphore, #tpu.memory_space<semaphore_mem>>)
    %dma_wait3A_827 = arith.constant 0 : i32
    %dma_wait3A_828 = tpu.memref_slice %arg3[%dma_wait3A_827] : memref<1000000xf32, #tpu.memory_space<hbm>> -> memref<1000000xf32, #tpu.memory_space<hbm>>
    tpu.wait_indirect_dma semaphore(%arg10 : memref<!tpu.dma_semaphore, #tpu.memory_space<semaphore_mem>>) src(%dma_wait3A_828 : memref<1000000xf32, #tpu.memory_space<hbm>>) dst(%arg7 : memref<12800xf32, #tpu.memory_space<vmem>>)
    %iota3A_829 = tpu.iota {dimensions = array<i32: 0>} : vector<16xi32>
    %add3A_830 = arith.constant 0 : i32
    %add3A_831 = vector.broadcast %add3A_830 : i32 to vector<16xi32>
    %add3A_832 = arith.addi %iota3A_829, %add3A_831 : vector<16xi32>
    %mul3A_833 = arith.constant 200 : i32
    %mul3A_834 = vector.broadcast %mul3A_833 : i32 to vector<16xi32>
    %mul3A_835 = arith.muli %add3A_832, %mul3A_834 : vector<16xi32>
    %broadcast_in_dim3A_836 = arith.constant 0.000000e+00 : f32
    %broadcast_in_dim3A_837 = vector.broadcast %broadcast_in_dim3A_836 : f32 to vector<16xf32>
    %scan3A_838 = arith.constant 0 : i32
    %scan3A_839 = arith.constant 200 : i32
    %scan3A_840 = arith.addi %scan3A_838, %scan3A_839 : i32
    %scan3A_841 = arith.constant 1 : i32
    %scan3A_842 = scf.for %scan3A_1101 = %scan3A_838 to %scan3A_840 step %scan3A_841 iter_args(%scan3A_1102 = %broadcast_in_dim3A_837) -> (vector<16xf32>)  : i32 {
      %add3A_1103 = vector.broadcast %scan3A_1101 : i32 to vector<16xi32>
      %add3A_1104 = arith.addi %mul3A_835, %add3A_1103 : vector<16xi32>
      %gather3A = tpu.vector_load_idx %arg7[%add3A_1104] : memref<12800xf32, #tpu.memory_space<vmem>>[vector<16xi32>], vector<16xf32>,
      %add3A_1105 = arith.addf %scan3A_1102, %gather3A : vector<16xf32>
      scf.yield %add3A_1105 : vector<16xf32>
    }
    %scan3A_843 = arith.constant 200 : i32
    %mul3A_844 = arith.constant 5.000000e-03 : f32
    %mul3A_845 = vector.broadcast %mul3A_844 : f32 to vector<16xf32>
    %mul3A_846 = arith.mulf %scan3A_842, %mul3A_845 : vector<16xf32>
    %get3A_847 = arith.constant 0 : index
    %get3A_848 = tpu.vector_load %arg9[%get3A_847] {strides = array<i32>} : memref<16xf32, #tpu.memory_space<vmem>>, vector<16xf32>,
    %add3A_849 = arith.addf %mul3A_846, %get3A_848 : vector<16xf32>
    %neg3A_850 = arith.constant 0.000000e+00 : f32
    %neg3A_851 = vector.broadcast %neg3A_850 : f32 to vector<16xf32>
    %neg3A_852 = arith.subf %neg3A_851, %add3A_849 : vector<16xf32>
    %exp3A_853 = math.exp %neg3A_852 : vector<16xf32>
    %add3A_854 = arith.constant 1.000000e+00 : f32
    %add3A_855 = vector.broadcast %add3A_854 : f32 to vector<16xf32>
    %add3A_856 = arith.addf %add3A_855, %exp3A_853 : vector<16xf32>
    %div3A_857 = arith.constant 1.000000e+00 : f32
    %div3A_858 = vector.broadcast %div3A_857 : f32 to vector<16xf32>
    %div3A_859 = arith.divf %div3A_858, %add3A_856 : vector<16xf32>
    %swap3A_860 = arith.constant 384 : index
    %swap3A_861 = tpu.vector_load %arg8[%swap3A_860] {strides = array<i32>} : memref<512xf32, #tpu.memory_space<vmem>>, vector<16xf32>,
    tpu.vector_store %arg8[%swap3A_860], %div3A_859 {strides = array<i32>} : memref<512xf32, #tpu.memory_space<vmem>>, vector<16xf32>,
    %iota3A_862 = tpu.iota {dimensions = array<i32: 0>} : vector<16xi32>
    %add3A_863 = arith.constant 16 : i32
    %add3A_864 = vector.broadcast %add3A_863 : i32 to vector<16xi32>
    %add3A_865 = arith.addi %iota3A_862, %add3A_864 : vector<16xi32>
    %mul3A_866 = arith.constant 200 : i32
    %mul3A_867 = vector.broadcast %mul3A_866 : i32 to vector<16xi32>
    %mul3A_868 = arith.muli %add3A_865, %mul3A_867 : vector<16xi32>
    %broadcast_in_dim3A_869 = arith.constant 0.000000e+00 : f32
    %broadcast_in_dim3A_870 = vector.broadcast %broadcast_in_dim3A_869 : f32 to vector<16xf32>
    %scan3A_871 = arith.constant 0 : i32
    %scan3A_872 = arith.constant 200 : i32
    %scan3A_873 = arith.addi %scan3A_871, %scan3A_872 : i32
    %scan3A_874 = arith.constant 1 : i32
    %scan3A_875 = scf.for %scan3A_1101 = %scan3A_871 to %scan3A_873 step %scan3A_874 iter_args(%scan3A_1102 = %broadcast_in_dim3A_870) -> (vector<16xf32>)  : i32 {
      %add3A_1103 = vector.broadcast %scan3A_1101 : i32 to vector<16xi32>
      %add3A_1104 = arith.addi %mul3A_868, %add3A_1103 : vector<16xi32>
      %gather3A = tpu.vector_load_idx %arg7[%add3A_1104] : memref<12800xf32, #tpu.memory_space<vmem>>[vector<16xi32>], vector<16xf32>,
      %add3A_1105 = arith.addf %scan3A_1102, %gather3A : vector<16xf32>
      scf.yield %add3A_1105 : vector<16xf32>
    }
    %scan3A_876 = arith.constant 200 : i32
    %mul3A_877 = arith.constant 5.000000e-03 : f32
    %mul3A_878 = vector.broadcast %mul3A_877 : f32 to vector<16xf32>
    %mul3A_879 = arith.mulf %scan3A_875, %mul3A_878 : vector<16xf32>
    %get3A_880 = arith.constant 0 : index
    %get3A_881 = tpu.vector_load %arg9[%get3A_880] {strides = array<i32>} : memref<16xf32, #tpu.memory_space<vmem>>, vector<16xf32>,
    %add3A_882 = arith.addf %mul3A_879, %get3A_881 : vector<16xf32>
    %neg3A_883 = arith.constant 0.000000e+00 : f32
    %neg3A_884 = vector.broadcast %neg3A_883 : f32 to vector<16xf32>
    %neg3A_885 = arith.subf %neg3A_884, %add3A_882 : vector<16xf32>
    %exp3A_886 = math.exp %neg3A_885 : vector<16xf32>
    %add3A_887 = arith.constant 1.000000e+00 : f32
    %add3A_888 = vector.broadcast %add3A_887 : f32 to vector<16xf32>
    %add3A_889 = arith.addf %add3A_888, %exp3A_886 : vector<16xf32>
    %div3A_890 = arith.constant 1.000000e+00 : f32
    %div3A_891 = vector.broadcast %div3A_890 : f32 to vector<16xf32>
    %div3A_892 = arith.divf %div3A_891, %add3A_889 : vector<16xf32>
    %swap3A_893 = arith.constant 400 : index
    %swap3A_894 = tpu.vector_load %arg8[%swap3A_893] {strides = array<i32>} : memref<512xf32, #tpu.memory_space<vmem>>, vector<16xf32>,
    tpu.vector_store %arg8[%swap3A_893], %div3A_892 {strides = array<i32>} : memref<512xf32, #tpu.memory_space<vmem>>, vector<16xf32>,
    %iota3A_895 = tpu.iota {dimensions = array<i32: 0>} : vector<16xi32>
    %add3A_896 = arith.constant 32 : i32
    %add3A_897 = vector.broadcast %add3A_896 : i32 to vector<16xi32>
    %add3A_898 = arith.addi %iota3A_895, %add3A_897 : vector<16xi32>
    %mul3A_899 = arith.constant 200 : i32
    %mul3A_900 = vector.broadcast %mul3A_899 : i32 to vector<16xi32>
    %mul3A_901 = arith.muli %add3A_898, %mul3A_900 : vector<16xi32>
    %broadcast_in_dim3A_902 = arith.constant 0.000000e+00 : f32
    %broadcast_in_dim3A_903 = vector.broadcast %broadcast_in_dim3A_902 : f32 to vector<16xf32>
    %scan3A_904 = arith.constant 0 : i32
    %scan3A_905 = arith.constant 200 : i32
    %scan3A_906 = arith.addi %scan3A_904, %scan3A_905 : i32
    %scan3A_907 = arith.constant 1 : i32
    %scan3A_908 = scf.for %scan3A_1101 = %scan3A_904 to %scan3A_906 step %scan3A_907 iter_args(%scan3A_1102 = %broadcast_in_dim3A_903) -> (vector<16xf32>)  : i32 {
      %add3A_1103 = vector.broadcast %scan3A_1101 : i32 to vector<16xi32>
      %add3A_1104 = arith.addi %mul3A_901, %add3A_1103 : vector<16xi32>
      %gather3A = tpu.vector_load_idx %arg7[%add3A_1104] : memref<12800xf32, #tpu.memory_space<vmem>>[vector<16xi32>], vector<16xf32>,
      %add3A_1105 = arith.addf %scan3A_1102, %gather3A : vector<16xf32>
      scf.yield %add3A_1105 : vector<16xf32>
    }
    %scan3A_909 = arith.constant 200 : i32
    %mul3A_910 = arith.constant 5.000000e-03 : f32
    %mul3A_911 = vector.broadcast %mul3A_910 : f32 to vector<16xf32>
    %mul3A_912 = arith.mulf %scan3A_908, %mul3A_911 : vector<16xf32>
    %get3A_913 = arith.constant 0 : index
    %get3A_914 = tpu.vector_load %arg9[%get3A_913] {strides = array<i32>} : memref<16xf32, #tpu.memory_space<vmem>>, vector<16xf32>,
    %add3A_915 = arith.addf %mul3A_912, %get3A_914 : vector<16xf32>
    %neg3A_916 = arith.constant 0.000000e+00 : f32
    %neg3A_917 = vector.broadcast %neg3A_916 : f32 to vector<16xf32>
    %neg3A_918 = arith.subf %neg3A_917, %add3A_915 : vector<16xf32>
    %exp3A_919 = math.exp %neg3A_918 : vector<16xf32>
    %add3A_920 = arith.constant 1.000000e+00 : f32
    %add3A_921 = vector.broadcast %add3A_920 : f32 to vector<16xf32>
    %add3A_922 = arith.addf %add3A_921, %exp3A_919 : vector<16xf32>
    %div3A_923 = arith.constant 1.000000e+00 : f32
    %div3A_924 = vector.broadcast %div3A_923 : f32 to vector<16xf32>
    %div3A_925 = arith.divf %div3A_924, %add3A_922 : vector<16xf32>
    %swap3A_926 = arith.constant 416 : index
    %swap3A_927 = tpu.vector_load %arg8[%swap3A_926] {strides = array<i32>} : memref<512xf32, #tpu.memory_space<vmem>>, vector<16xf32>,
    tpu.vector_store %arg8[%swap3A_926], %div3A_925 {strides = array<i32>} : memref<512xf32, #tpu.memory_space<vmem>>, vector<16xf32>,
    %iota3A_928 = tpu.iota {dimensions = array<i32: 0>} : vector<16xi32>
    %add3A_929 = arith.constant 48 : i32
    %add3A_930 = vector.broadcast %add3A_929 : i32 to vector<16xi32>
    %add3A_931 = arith.addi %iota3A_928, %add3A_930 : vector<16xi32>
    %mul3A_932 = arith.constant 200 : i32
    %mul3A_933 = vector.broadcast %mul3A_932 : i32 to vector<16xi32>
    %mul3A_934 = arith.muli %add3A_931, %mul3A_933 : vector<16xi32>
    %broadcast_in_dim3A_935 = arith.constant 0.000000e+00 : f32
    %broadcast_in_dim3A_936 = vector.broadcast %broadcast_in_dim3A_935 : f32 to vector<16xf32>
    %scan3A_937 = arith.constant 0 : i32
    %scan3A_938 = arith.constant 200 : i32
    %scan3A_939 = arith.addi %scan3A_937, %scan3A_938 : i32
    %scan3A_940 = arith.constant 1 : i32
    %scan3A_941 = scf.for %scan3A_1101 = %scan3A_937 to %scan3A_939 step %scan3A_940 iter_args(%scan3A_1102 = %broadcast_in_dim3A_936) -> (vector<16xf32>)  : i32 {
      %add3A_1103 = vector.broadcast %scan3A_1101 : i32 to vector<16xi32>
      %add3A_1104 = arith.addi %mul3A_934, %add3A_1103 : vector<16xi32>
      %gather3A = tpu.vector_load_idx %arg7[%add3A_1104] : memref<12800xf32, #tpu.memory_space<vmem>>[vector<16xi32>], vector<16xf32>,
      %add3A_1105 = arith.addf %scan3A_1102, %gather3A : vector<16xf32>
      scf.yield %add3A_1105 : vector<16xf32>
    }
    %scan3A_942 = arith.constant 200 : i32
    %mul3A_943 = arith.constant 5.000000e-03 : f32
    %mul3A_944 = vector.broadcast %mul3A_943 : f32 to vector<16xf32>
    %mul3A_945 = arith.mulf %scan3A_941, %mul3A_944 : vector<16xf32>
    %get3A_946 = arith.constant 0 : index
    %get3A_947 = tpu.vector_load %arg9[%get3A_946] {strides = array<i32>} : memref<16xf32, #tpu.memory_space<vmem>>, vector<16xf32>,
    %add3A_948 = arith.addf %mul3A_945, %get3A_947 : vector<16xf32>
    %neg3A_949 = arith.constant 0.000000e+00 : f32
    %neg3A_950 = vector.broadcast %neg3A_949 : f32 to vector<16xf32>
    %neg3A_951 = arith.subf %neg3A_950, %add3A_948 : vector<16xf32>
    %exp3A_952 = math.exp %neg3A_951 : vector<16xf32>
    %add3A_953 = arith.constant 1.000000e+00 : f32
    %add3A_954 = vector.broadcast %add3A_953 : f32 to vector<16xf32>
    %add3A_955 = arith.addf %add3A_954, %exp3A_952 : vector<16xf32>
    %div3A_956 = arith.constant 1.000000e+00 : f32
    %div3A_957 = vector.broadcast %div3A_956 : f32 to vector<16xf32>
    %div3A_958 = arith.divf %div3A_957, %add3A_955 : vector<16xf32>
    %swap3A_959 = arith.constant 432 : index
    %swap3A_960 = tpu.vector_load %arg8[%swap3A_959] {strides = array<i32>} : memref<512xf32, #tpu.memory_space<vmem>>, vector<16xf32>,
    tpu.vector_store %arg8[%swap3A_959], %div3A_958 {strides = array<i32>} : memref<512xf32, #tpu.memory_space<vmem>>, vector<16xf32>,
    %add3A_961 = arith.constant 89600 : i32
    %add3A_962 = arith.addi %mul3A_4, %add3A_961 : i32
    "tpu.region"() ({
      %run_scoped3A = tpu.sem_alloc : memref<!tpu.dma_semaphore, #tpu.memory_space<semaphore_mem>>
      %dma_start3A_1101 = tpu.memref_slice %arg2[%add3A_962] : memref<3276800xi32, #tpu.memory_space<hbm>> -> memref<12800xi32, #tpu.memory_space<hbm>>
      %dma_start3A_1102 = tpu.memref_slice %arg2[%add3A_962] : memref<3276800xi32, #tpu.memory_space<hbm>> -> memref<12800xi32, #tpu.memory_space<hbm>>
      tpu.enqueue_dma source(%dma_start3A_1102 : memref<12800xi32, #tpu.memory_space<hbm>>) target(%arg6 : memref<12800xi32, #tpu.memory_space<vmem>>) target_semaphore(%run_scoped3A : memref<!tpu.dma_semaphore, #tpu.memory_space<semaphore_mem>>)
      %dma_wait3A_1103 = tpu.memref_slice %arg2[%add3A_962] : memref<3276800xi32, #tpu.memory_space<hbm>> -> memref<12800xi32, #tpu.memory_space<hbm>>
      %dma_wait3A_1104 = tpu.memref_slice %arg2[%add3A_962] : memref<3276800xi32, #tpu.memory_space<hbm>> -> memref<12800xi32, #tpu.memory_space<hbm>>
      tpu.wait_dma2 semaphore(%run_scoped3A : memref<!tpu.dma_semaphore, #tpu.memory_space<semaphore_mem>>) src(%dma_wait3A_1104 : memref<12800xi32, #tpu.memory_space<hbm>>) dst(%arg6 : memref<12800xi32, #tpu.memory_space<vmem>>)
      tpu.yield
    }) : () -> ()
    %dma_start3A_963 = arith.constant 0 : i32
    %dma_start3A_964 = tpu.memref_slice %arg3[%dma_start3A_963] : memref<1000000xf32, #tpu.memory_space<hbm>> -> memref<1000000xf32, #tpu.memory_space<hbm>>
    tpu.enqueue_indirect_dma source(%dma_start3A_964 : memref<1000000xf32, #tpu.memory_space<hbm>>) target(%arg7 : memref<12800xf32, #tpu.memory_space<vmem>>) offsets(%arg6 : memref<12800xi32, #tpu.memory_space<vmem>>) semaphore(%arg10 : memref<!tpu.dma_semaphore, #tpu.memory_space<semaphore_mem>>)
    %dma_wait3A_965 = arith.constant 0 : i32
    %dma_wait3A_966 = tpu.memref_slice %arg3[%dma_wait3A_965] : memref<1000000xf32, #tpu.memory_space<hbm>> -> memref<1000000xf32, #tpu.memory_space<hbm>>
    tpu.wait_indirect_dma semaphore(%arg10 : memref<!tpu.dma_semaphore, #tpu.memory_space<semaphore_mem>>) src(%dma_wait3A_966 : memref<1000000xf32, #tpu.memory_space<hbm>>) dst(%arg7 : memref<12800xf32, #tpu.memory_space<vmem>>)
    %iota3A_967 = tpu.iota {dimensions = array<i32: 0>} : vector<16xi32>
    %add3A_968 = arith.constant 0 : i32
    %add3A_969 = vector.broadcast %add3A_968 : i32 to vector<16xi32>
    %add3A_970 = arith.addi %iota3A_967, %add3A_969 : vector<16xi32>
    %mul3A_971 = arith.constant 200 : i32
    %mul3A_972 = vector.broadcast %mul3A_971 : i32 to vector<16xi32>
    %mul3A_973 = arith.muli %add3A_970, %mul3A_972 : vector<16xi32>
    %broadcast_in_dim3A_974 = arith.constant 0.000000e+00 : f32
    %broadcast_in_dim3A_975 = vector.broadcast %broadcast_in_dim3A_974 : f32 to vector<16xf32>
    %scan3A_976 = arith.constant 0 : i32
    %scan3A_977 = arith.constant 200 : i32
    %scan3A_978 = arith.addi %scan3A_976, %scan3A_977 : i32
    %scan3A_979 = arith.constant 1 : i32
    %scan3A_980 = scf.for %scan3A_1101 = %scan3A_976 to %scan3A_978 step %scan3A_979 iter_args(%scan3A_1102 = %broadcast_in_dim3A_975) -> (vector<16xf32>)  : i32 {
      %add3A_1103 = vector.broadcast %scan3A_1101 : i32 to vector<16xi32>
      %add3A_1104 = arith.addi %mul3A_973, %add3A_1103 : vector<16xi32>
      %gather3A = tpu.vector_load_idx %arg7[%add3A_1104] : memref<12800xf32, #tpu.memory_space<vmem>>[vector<16xi32>], vector<16xf32>,
      %add3A_1105 = arith.addf %scan3A_1102, %gather3A : vector<16xf32>
      scf.yield %add3A_1105 : vector<16xf32>
    }
    %scan3A_981 = arith.constant 200 : i32
    %mul3A_982 = arith.constant 5.000000e-03 : f32
    %mul3A_983 = vector.broadcast %mul3A_982 : f32 to vector<16xf32>
    %mul3A_984 = arith.mulf %scan3A_980, %mul3A_983 : vector<16xf32>
    %get3A_985 = arith.constant 0 : index
    %get3A_986 = tpu.vector_load %arg9[%get3A_985] {strides = array<i32>} : memref<16xf32, #tpu.memory_space<vmem>>, vector<16xf32>,
    %add3A_987 = arith.addf %mul3A_984, %get3A_986 : vector<16xf32>
    %neg3A_988 = arith.constant 0.000000e+00 : f32
    %neg3A_989 = vector.broadcast %neg3A_988 : f32 to vector<16xf32>
    %neg3A_990 = arith.subf %neg3A_989, %add3A_987 : vector<16xf32>
    %exp3A_991 = math.exp %neg3A_990 : vector<16xf32>
    %add3A_992 = arith.constant 1.000000e+00 : f32
    %add3A_993 = vector.broadcast %add3A_992 : f32 to vector<16xf32>
    %add3A_994 = arith.addf %add3A_993, %exp3A_991 : vector<16xf32>
    %div3A_995 = arith.constant 1.000000e+00 : f32
    %div3A_996 = vector.broadcast %div3A_995 : f32 to vector<16xf32>
    %div3A_997 = arith.divf %div3A_996, %add3A_994 : vector<16xf32>
    %swap3A_998 = arith.constant 448 : index
    %swap3A_999 = tpu.vector_load %arg8[%swap3A_998] {strides = array<i32>} : memref<512xf32, #tpu.memory_space<vmem>>, vector<16xf32>,
    tpu.vector_store %arg8[%swap3A_998], %div3A_997 {strides = array<i32>} : memref<512xf32, #tpu.memory_space<vmem>>, vector<16xf32>,
    %iota3A_1000 = tpu.iota {dimensions = array<i32: 0>} : vector<16xi32>
    %add3A_1001 = arith.constant 16 : i32
    %add3A_1002 = vector.broadcast %add3A_1001 : i32 to vector<16xi32>
    %add3A_1003 = arith.addi %iota3A_1000, %add3A_1002 : vector<16xi32>
    %mul3A_1004 = arith.constant 200 : i32
    %mul3A_1005 = vector.broadcast %mul3A_1004 : i32 to vector<16xi32>
    %mul3A_1006 = arith.muli %add3A_1003, %mul3A_1005 : vector<16xi32>
    %broadcast_in_dim3A_1007 = arith.constant 0.000000e+00 : f32
    %broadcast_in_dim3A_1008 = vector.broadcast %broadcast_in_dim3A_1007 : f32 to vector<16xf32>
    %scan3A_1009 = arith.constant 0 : i32
    %scan3A_1010 = arith.constant 200 : i32
    %scan3A_1011 = arith.addi %scan3A_1009, %scan3A_1010 : i32
    %scan3A_1012 = arith.constant 1 : i32
    %scan3A_1013 = scf.for %scan3A_1101 = %scan3A_1009 to %scan3A_1011 step %scan3A_1012 iter_args(%scan3A_1102 = %broadcast_in_dim3A_1008) -> (vector<16xf32>)  : i32 {
      %add3A_1103 = vector.broadcast %scan3A_1101 : i32 to vector<16xi32>
      %add3A_1104 = arith.addi %mul3A_1006, %add3A_1103 : vector<16xi32>
      %gather3A = tpu.vector_load_idx %arg7[%add3A_1104] : memref<12800xf32, #tpu.memory_space<vmem>>[vector<16xi32>], vector<16xf32>,
      %add3A_1105 = arith.addf %scan3A_1102, %gather3A : vector<16xf32>
      scf.yield %add3A_1105 : vector<16xf32>
    }
    %scan3A_1014 = arith.constant 200 : i32
    %mul3A_1015 = arith.constant 5.000000e-03 : f32
    %mul3A_1016 = vector.broadcast %mul3A_1015 : f32 to vector<16xf32>
    %mul3A_1017 = arith.mulf %scan3A_1013, %mul3A_1016 : vector<16xf32>
    %get3A_1018 = arith.constant 0 : index
    %get3A_1019 = tpu.vector_load %arg9[%get3A_1018] {strides = array<i32>} : memref<16xf32, #tpu.memory_space<vmem>>, vector<16xf32>,
    %add3A_1020 = arith.addf %mul3A_1017, %get3A_1019 : vector<16xf32>
    %neg3A_1021 = arith.constant 0.000000e+00 : f32
    %neg3A_1022 = vector.broadcast %neg3A_1021 : f32 to vector<16xf32>
    %neg3A_1023 = arith.subf %neg3A_1022, %add3A_1020 : vector<16xf32>
    %exp3A_1024 = math.exp %neg3A_1023 : vector<16xf32>
    %add3A_1025 = arith.constant 1.000000e+00 : f32
    %add3A_1026 = vector.broadcast %add3A_1025 : f32 to vector<16xf32>
    %add3A_1027 = arith.addf %add3A_1026, %exp3A_1024 : vector<16xf32>
    %div3A_1028 = arith.constant 1.000000e+00 : f32
    %div3A_1029 = vector.broadcast %div3A_1028 : f32 to vector<16xf32>
    %div3A_1030 = arith.divf %div3A_1029, %add3A_1027 : vector<16xf32>
    %swap3A_1031 = arith.constant 464 : index
    %swap3A_1032 = tpu.vector_load %arg8[%swap3A_1031] {strides = array<i32>} : memref<512xf32, #tpu.memory_space<vmem>>, vector<16xf32>,
    tpu.vector_store %arg8[%swap3A_1031], %div3A_1030 {strides = array<i32>} : memref<512xf32, #tpu.memory_space<vmem>>, vector<16xf32>,
    %iota3A_1033 = tpu.iota {dimensions = array<i32: 0>} : vector<16xi32>
    %add3A_1034 = arith.constant 32 : i32
    %add3A_1035 = vector.broadcast %add3A_1034 : i32 to vector<16xi32>
    %add3A_1036 = arith.addi %iota3A_1033, %add3A_1035 : vector<16xi32>
    %mul3A_1037 = arith.constant 200 : i32
    %mul3A_1038 = vector.broadcast %mul3A_1037 : i32 to vector<16xi32>
    %mul3A_1039 = arith.muli %add3A_1036, %mul3A_1038 : vector<16xi32>
    %broadcast_in_dim3A_1040 = arith.constant 0.000000e+00 : f32
    %broadcast_in_dim3A_1041 = vector.broadcast %broadcast_in_dim3A_1040 : f32 to vector<16xf32>
    %scan3A_1042 = arith.constant 0 : i32
    %scan3A_1043 = arith.constant 200 : i32
    %scan3A_1044 = arith.addi %scan3A_1042, %scan3A_1043 : i32
    %scan3A_1045 = arith.constant 1 : i32
    %scan3A_1046 = scf.for %scan3A_1101 = %scan3A_1042 to %scan3A_1044 step %scan3A_1045 iter_args(%scan3A_1102 = %broadcast_in_dim3A_1041) -> (vector<16xf32>)  : i32 {
      %add3A_1103 = vector.broadcast %scan3A_1101 : i32 to vector<16xi32>
      %add3A_1104 = arith.addi %mul3A_1039, %add3A_1103 : vector<16xi32>
      %gather3A = tpu.vector_load_idx %arg7[%add3A_1104] : memref<12800xf32, #tpu.memory_space<vmem>>[vector<16xi32>], vector<16xf32>,
      %add3A_1105 = arith.addf %scan3A_1102, %gather3A : vector<16xf32>
      scf.yield %add3A_1105 : vector<16xf32>
    }
    %scan3A_1047 = arith.constant 200 : i32
    %mul3A_1048 = arith.constant 5.000000e-03 : f32
    %mul3A_1049 = vector.broadcast %mul3A_1048 : f32 to vector<16xf32>
    %mul3A_1050 = arith.mulf %scan3A_1046, %mul3A_1049 : vector<16xf32>
    %get3A_1051 = arith.constant 0 : index
    %get3A_1052 = tpu.vector_load %arg9[%get3A_1051] {strides = array<i32>} : memref<16xf32, #tpu.memory_space<vmem>>, vector<16xf32>,
    %add3A_1053 = arith.addf %mul3A_1050, %get3A_1052 : vector<16xf32>
    %neg3A_1054 = arith.constant 0.000000e+00 : f32
    %neg3A_1055 = vector.broadcast %neg3A_1054 : f32 to vector<16xf32>
    %neg3A_1056 = arith.subf %neg3A_1055, %add3A_1053 : vector<16xf32>
    %exp3A_1057 = math.exp %neg3A_1056 : vector<16xf32>
    %add3A_1058 = arith.constant 1.000000e+00 : f32
    %add3A_1059 = vector.broadcast %add3A_1058 : f32 to vector<16xf32>
    %add3A_1060 = arith.addf %add3A_1059, %exp3A_1057 : vector<16xf32>
    %div3A_1061 = arith.constant 1.000000e+00 : f32
    %div3A_1062 = vector.broadcast %div3A_1061 : f32 to vector<16xf32>
    %div3A_1063 = arith.divf %div3A_1062, %add3A_1060 : vector<16xf32>
    %swap3A_1064 = arith.constant 480 : index
    %swap3A_1065 = tpu.vector_load %arg8[%swap3A_1064] {strides = array<i32>} : memref<512xf32, #tpu.memory_space<vmem>>, vector<16xf32>,
    tpu.vector_store %arg8[%swap3A_1064], %div3A_1063 {strides = array<i32>} : memref<512xf32, #tpu.memory_space<vmem>>, vector<16xf32>,
    %iota3A_1066 = tpu.iota {dimensions = array<i32: 0>} : vector<16xi32>
    %add3A_1067 = arith.constant 48 : i32
    %add3A_1068 = vector.broadcast %add3A_1067 : i32 to vector<16xi32>
    %add3A_1069 = arith.addi %iota3A_1066, %add3A_1068 : vector<16xi32>
    %mul3A_1070 = arith.constant 200 : i32
    %mul3A_1071 = vector.broadcast %mul3A_1070 : i32 to vector<16xi32>
    %mul3A_1072 = arith.muli %add3A_1069, %mul3A_1071 : vector<16xi32>
    %broadcast_in_dim3A_1073 = arith.constant 0.000000e+00 : f32
    %broadcast_in_dim3A_1074 = vector.broadcast %broadcast_in_dim3A_1073 : f32 to vector<16xf32>
    %scan3A_1075 = arith.constant 0 : i32
    %scan3A_1076 = arith.constant 200 : i32
    %scan3A_1077 = arith.addi %scan3A_1075, %scan3A_1076 : i32
    %scan3A_1078 = arith.constant 1 : i32
    %scan3A_1079 = scf.for %scan3A_1101 = %scan3A_1075 to %scan3A_1077 step %scan3A_1078 iter_args(%scan3A_1102 = %broadcast_in_dim3A_1074) -> (vector<16xf32>)  : i32 {
      %add3A_1103 = vector.broadcast %scan3A_1101 : i32 to vector<16xi32>
      %add3A_1104 = arith.addi %mul3A_1072, %add3A_1103 : vector<16xi32>
      %gather3A = tpu.vector_load_idx %arg7[%add3A_1104] : memref<12800xf32, #tpu.memory_space<vmem>>[vector<16xi32>], vector<16xf32>,
      %add3A_1105 = arith.addf %scan3A_1102, %gather3A : vector<16xf32>
      scf.yield %add3A_1105 : vector<16xf32>
    }
    %scan3A_1080 = arith.constant 200 : i32
    %mul3A_1081 = arith.constant 5.000000e-03 : f32
    %mul3A_1082 = vector.broadcast %mul3A_1081 : f32 to vector<16xf32>
    %mul3A_1083 = arith.mulf %scan3A_1079, %mul3A_1082 : vector<16xf32>
    %get3A_1084 = arith.constant 0 : index
    %get3A_1085 = tpu.vector_load %arg9[%get3A_1084] {strides = array<i32>} : memref<16xf32, #tpu.memory_space<vmem>>, vector<16xf32>,
    %add3A_1086 = arith.addf %mul3A_1083, %get3A_1085 : vector<16xf32>
    %neg3A_1087 = arith.constant 0.000000e+00 : f32
    %neg3A_1088 = vector.broadcast %neg3A_1087 : f32 to vector<16xf32>
    %neg3A_1089 = arith.subf %neg3A_1088, %add3A_1086 : vector<16xf32>
    %exp3A_1090 = math.exp %neg3A_1089 : vector<16xf32>
    %add3A_1091 = arith.constant 1.000000e+00 : f32
    %add3A_1092 = vector.broadcast %add3A_1091 : f32 to vector<16xf32>
    %add3A_1093 = arith.addf %add3A_1092, %exp3A_1090 : vector<16xf32>
    %div3A_1094 = arith.constant 1.000000e+00 : f32
    %div3A_1095 = vector.broadcast %div3A_1094 : f32 to vector<16xf32>
    %div3A_1096 = arith.divf %div3A_1095, %add3A_1093 : vector<16xf32>
    %swap3A_1097 = arith.constant 496 : index
    %swap3A_1098 = tpu.vector_load %arg8[%swap3A_1097] {strides = array<i32>} : memref<512xf32, #tpu.memory_space<vmem>>, vector<16xf32>,
    tpu.vector_store %arg8[%swap3A_1097], %div3A_1096 {strides = array<i32>} : memref<512xf32, #tpu.memory_space<vmem>>, vector<16xf32>,
    %mul3A_1099 = arith.constant 512 : i32
    %mul3A_1100 = arith.muli %add3A, %mul3A_1099 : i32
    "tpu.region"() ({
      %run_scoped3A = tpu.sem_alloc : memref<!tpu.dma_semaphore, #tpu.memory_space<semaphore_mem>>
      %dma_start3A_1101 = tpu.memref_slice %arg5[%mul3A_1100] : memref<16384xf32, #tpu.memory_space<hbm>> -> memref<512xf32, #tpu.memory_space<hbm>>
      %dma_start3A_1102 = tpu.memref_slice %arg5[%mul3A_1100] : memref<16384xf32, #tpu.memory_space<hbm>> -> memref<512xf32, #tpu.memory_space<hbm>>
      tpu.enqueue_dma source(%arg8 : memref<512xf32, #tpu.memory_space<vmem>>) target(%dma_start3A_1102 : memref<512xf32, #tpu.memory_space<hbm>>) target_semaphore(%run_scoped3A : memref<!tpu.dma_semaphore, #tpu.memory_space<semaphore_mem>>)
      %dma_wait3A_1103 = tpu.memref_slice %arg5[%mul3A_1100] : memref<16384xf32, #tpu.memory_space<hbm>> -> memref<512xf32, #tpu.memory_space<hbm>>
      %dma_wait3A_1104 = tpu.memref_slice %arg5[%mul3A_1100] : memref<16384xf32, #tpu.memory_space<hbm>> -> memref<512xf32, #tpu.memory_space<hbm>>
      tpu.wait_dma2 semaphore(%run_scoped3A : memref<!tpu.dma_semaphore, #tpu.memory_space<semaphore_mem>>) src(%arg8 : memref<512xf32, #tpu.memory_space<vmem>>) dst(%dma_wait3A_1104 : memref<512xf32, #tpu.memory_space<hbm>>)
      tpu.yield
    }) : () -> ()
    return
  }
}

module attributes {stable_mosaic.version = 14 : i64} {
  func.func @_proj_body(%arg0: i32, %arg1: memref<5000x128xf32, #tpu.memory_space<vmem>>, %arg2: memref<128x8xf32, #tpu.memory_space<vmem>>, %arg3: memref<5000x8xf32, #tpu.memory_space<vmem>>) attributes {dimension_semantics = [#tpu.dimension_semantics<arbitrary>], iteration_bounds = array<i64: 25>, scalar_prefetch = 0 : i64, scratch_operands = 0 : i64, tpu.core_type = #tpu.core_type<tc>, window_params = [{transform_indices = @transform_0, window_bounds = array<i64: 5000, 128>}, {pipeline_mode = #tpu.pipeline_mode<synchronous>, transform_indices = @transform_1, window_bounds = array<i64: 128, 8>}, {transform_indices = @transform_2, window_bounds = array<i64: 5000, 8>}]} {
    %get3A = arith.constant 0 : index
    %get3A_0 = arith.constant 0 : index
    %get3A_1 = vector.load %arg1[%get3A, %get3A_0] : memref<5000x128xf32, #tpu.memory_space<vmem>>, vector<5000x128xf32>
    %get3A_2 = arith.constant 0 : index
    %get3A_3 = arith.constant 0 : index
    %get3A_4 = vector.load %arg2[%get3A_2, %get3A_3] : memref<128x8xf32, #tpu.memory_space<vmem>>, vector<128x8xf32>
    %dot_general3A = arith.constant dense<0.000000e+00> : vector<5000x8xf32>
    %dot_general3A_5 = tpu.matmul %get3A_1, %get3A_4, %dot_general3A {dimension_numbers = #tpu.dot_dimension_numbers<[1], [0], [0], [1], [0, 0, 1, 1], [], []>, transpose_lhs_hint = false} : vector<5000x128xf32>, vector<128x8xf32>, vector<5000x8xf32> -> vector<5000x8xf32>
    %swap3A = arith.constant 0 : index
    %swap3A_6 = arith.constant 0 : index
    %swap3A_7 = vector.load %arg3[%swap3A, %swap3A_6] : memref<5000x8xf32, #tpu.memory_space<vmem>>, vector<5000x8xf32>
    tpu.vector_store %arg3[%swap3A, %swap3A_6], %dot_general3A_5 {strides = array<i32>} : memref<5000x8xf32, #tpu.memory_space<vmem>>, vector<5000x8xf32>,
    return
  }
  func.func @transform_0(%arg0: i32) -> (i32, i32) {
    %c0_i32 = arith.constant 0 : i32
    %c0_i32_0 = arith.constant 0 : i32
    return %arg0, %c0_i32 : i32, i32
  }
  func.func @transform_1(%arg0: i32) -> (i32, i32) {
    %c0_i32 = arith.constant 0 : i32
    %c0_i32_0 = arith.constant 0 : i32
    %c0_i32_1 = arith.constant 0 : i32
    return %c0_i32, %c0_i32_0 : i32, i32
  }
  func.func @transform_2(%arg0: i32) -> (i32, i32) {
    %c0_i32 = arith.constant 0 : i32
    %c0_i32_0 = arith.constant 0 : i32
    return %arg0, %c0_i32 : i32, i32
  }
}

</mosaic_0001>

<sc_bundles>
// kernel: kernel.4.cloned.1.call-start
scs
__scs_entry_jumppad:
0x0: {  	(pc) =	sbr.rel $0x88, $3  }
0x1: {  	(tag) =	ssettag $0x0;
	lr =	simm.s32 $0x1  }
0x2: {  	[smem:$0x3F9D] =	sst lr;
	_ =	strace $0xD0000000  }
0x3: {  	_ = 	snop  }
0x4: {  	_ = 	snop  }
0x5: {  	_ = 	snop  }
0x6: {  	_ = 	snop  }
0x7: {  	_ = 	snop  }
__scs_overlays_trampoline_lowered:
0x8: {  	[smem:$0x3FAC] =	sst s0  }
0x9: {  	[smem:$0x3FAD] =	sst s1  }
0xa: {  	[smem:$0x3FAE] =	sst s2  }
0xb: {  	[smem:$0x3FAF] =	sst s3  }
0xc: {  	[smem:$0x3FB0] =	sst s4  }
0xd: {  	[smem:$0x3FB1] =	sst s5  }
0xe: {  	[smem:$0x3FB2] =	sst s6  }
0xf: {  	[smem:$0x3FB3] =	sst s7  }
0x10: {  	[smem:$0x3FB4] =	sst s8  }
0x11: {  	[smem:$0x3FB5] =	sst s9;
	s0 =	simm.s32 @!p0 $0x0  }
0x12: {  	s1 =	sld [smem:$0x3F9B];
	s0 =	simm.s32 @p0 $0x1  }
0x13: {  	[smem:$0x3FB6] =	sst s0;
	s0 =	simm.s32 @!p1 $0x0  }
0x14: {  	s2 =	sld [smem:$0x3F9A];
	s0 =	simm.s32 @p1 $0x1  }
0x15: {  	[smem:$0x3FB7] =	sst s0;
	s0 =	simm.s32 @!p2 $0x0  }
0x16: {  	s3 =	sld [smem:$0x3FDB];
	s0 =	simm.s32 @p2 $0x1  }
0x17: {  	s4 =	simm.s32 $0x1BF5;
	[smem:$0x3FB9] =	sst s0  }
0x18: {  	s0 =	sld [smem:$0x3F9C];
	_ =	swait.ge [sflag:s4], $0x0  }
0x19: {  	s7 =	sld [smem:$0x3F9D]  }
0x1a: {  	s8 =	sadd.s32 $0xFFFFE003, lr  }
0x1b: {  	s9 =	sadd.s32 $0xFFFFFEF7, lr;
	s5 =	simm.s32 $0xFFFFFFFF;
	p2 =	slt.u32 s8, $0xFFFFF086  }
0x1c: {  	p1 =	slt.u32 s9, $0xF7A;
	s5 =	simm.s32 @!p2 $0x0  }
0x1d: {  	s5 =	simm.s32 @p1 $0x1;
	p0 =	seq.s32 s7, s2  }
0x1e: {  	s7 =	smul.u32 @!p0 $0xF7A, s2;
	p2 =	seq.s32 @!p0 s5, $0x0  }
0x1f: {  	s9 =	smul.u32 $0xF7A, s1;
	s8 =	simm.s32 @!p0 $0x1BF5;
	p2 =	por !p2, p0  }
0x20: {  	[sflag:s8] =	ssyncset.s32 @!p0 $0xFFFFF086;
	s6 =	sadd.s32 @!p0 s3, s7;
	s7 =	simm.s32 @!p0 $0x108  }
0x21: {  	s3 =	sadd.s32 s3, s9;
	s6 =	sadd.s32 @!p0 $0x88, s6;
	s7 =	simm.s32 @p2 $0x1082  }
0x22: {  	[simem:s7], [sflag:s8] =	dma.local @!p0 [hbm:s6], $0xF7A  }
0x23: {  	s9 =	sor.u32 $0xD0000000, s2;
	s6 =	simm.s32 $0x108;
	_ =	swait.ge @!p0 [sflag:s8], $0x0  }
0x24: {  	s3 =	sadd.s32 $0x88, s3;
	s6 =	simm.s32 @!p1 $0x1082;
	[sflag:s4] =	ssyncset.s32 $0xFFFFF086  }
0x25: {  	[simem:s6], [sflag:s4] =	dma.local [hbm:s3], $0xF7A  }
0x26: {  	[smem:$0x3F9D] =	sst s1;
	(tag) =	ssettag s2;
	_ =	strace s9  }
0x27: {  	s1 =	sld [smem:$0x3FAD]  }
0x28: {  	s2 =	sld [smem:$0x3FAE]  }
0x29: {  	s4 =	sld [smem:$0x3FB0]  }
0x2a: {  	p0 =	seq.s32 s5, $0x0;
	s5 =	sld [smem:$0x3FB1]  }
0x2b: {  	s6 =	sld [smem:$0x3FB2]  }
0x2c: {  	s7 =	sld [smem:$0x3FB3]  }
0x2d: {  	s3 =	simm.s32 $0x108;
	s8 =	sld [smem:$0x3FB4]  }
0x2e: {  	s3 =	simm.s32 @!p0 $0x1082;
	s9 =	sld [smem:$0x3FB5]  }
0x2f: {  	lr =	sadd.s32 s0, s3;
	s0 =	sld [smem:$0x3FAC]  }
0x30: {  	s3 =	sld [smem:$0x3FAF]  }
0x31: {  	[smem:$0x3FB8] =	sst s10  }
0x32: {  	s10 =	sld [smem:$0x3FB6];
	_ =	sdelay $0x3  }
0x33: {  	p0 =	seq.s32 s10, $0x1;
	s10 =	sld [smem:$0x3FB8];
	_ =	sdelay $0x3  }
0x34: {  	[smem:$0x3FB8] =	sst s10  }
0x35: {  	s10 =	sld [smem:$0x3FB7];
	_ =	sdelay $0x3  }
0x36: {  	p1 =	seq.s32 s10, $0x1;
	s10 =	sld [smem:$0x3FB8];
	_ =	sdelay $0x3  }
0x37: {  	[smem:$0x3FB8] =	sst s10  }
0x38: {  	s10 =	sld [smem:$0x3FB9]  }
0x39: {  	_ = 	snop;
	(pc) =	sbr.ind lr, $3  }
0x3a: {  	_ = 	snop  }
0x3b: {  	_ = 	snop  }
0x3c: {  	p2 =	seq.s32 s10, $0x1;
	s10 =	sld [smem:$0x3FB8]  }
0x3d: {  	_ =	shalt  }
0x3e: {  	_ =	shalt  }
0x3f: {  	_ =	shalt  }
0x40: {  	_ =	shalt  }
0x41: {  	_ =	shalt  }
0x42: {  	_ =	shalt  }
0x43: {  	_ =	shalt  }
0x44: {  	_ =	shalt  }
0x45: {  	_ =	shalt  }
0x46: {  	_ =	shalt  }
0x47: {  	_ =	shalt  }
0x48: {  	_ =	shalt  }
0x49: {  	_ =	shalt  }
0x4a: {  	_ =	shalt  }
0x4b: {  	_ =	shalt  }
0x4c: {  	_ =	shalt  }
0x4d: {  	_ =	shalt  }
0x4e: {  	_ =	shalt  }
0x4f: {  	_ =	shalt  }
0x50: {  	_ =	shalt  }
0x51: {  	_ =	shalt  }
0x52: {  	_ =	shalt  }
0x53: {  	_ =	shalt  }
0x54: {  	_ =	shalt  }
0x55: {  	_ =	shalt  }
0x56: {  	_ =	shalt  }
0x57: {  	_ =	shalt  }
0x58: {  	_ =	shalt  }
0x59: {  	_ =	shalt  }
0x5a: {  	_ =	shalt  }
0x5b: {  	_ =	shalt  }
0x5c: {  	_ =	shalt  }
0x5d: {  	_ =	shalt  }
0x5e: {  	_ =	shalt  }
0x5f: {  	_ =	shalt  }
0x60: {  	_ =	shalt  }
0x61: {  	_ =	shalt  }
0x62: {  	_ =	shalt  }
0x63: {  	_ =	shalt  }
0x64: {  	_ =	shalt  }
0x65: {  	_ =	shalt  }
0x66: {  	_ =	shalt  }
0x67: {  	_ =	shalt  }
0x68: {  	_ =	shalt  }
0x69: {  	_ =	shalt  }
0x6a: {  	_ =	shalt  }
0x6b: {  	_ =	shalt  }
0x6c: {  	_ =	shalt  }
0x6d: {  	_ =	shalt  }
0x6e: {  	_ =	shalt  }
0x6f: {  	_ =	shalt  }
0x70: {  	_ =	shalt  }
0x71: {  	_ =	shalt  }
0x72: {  	_ =	shalt  }
0x73: {  	_ =	shalt  }
0x74: {  	_ =	shalt  }
0x75: {  	_ =	shalt  }
0x76: {  	_ =	shalt  }
0x77: {  	_ =	shalt  }
0x78: {  	_ =	shalt  }
0x79: {  	_ =	shalt  }
0x7a: {  	_ =	shalt  }
0x7b: {  	_ =	shalt  }
0x7c: {  	_ =	shalt  }
0x7d: {  	_ =	shalt  }
0x7e: {  	_ =	shalt  }
0x7f: {  	_ =	shalt  }
0x80: {  	_ =	shalt  }
0x81: {  	_ =	shalt  }
0x82: {  	_ =	shalt  }
0x83: {  	_ =	shalt  }
0x84: {  	_ =	shalt  }
0x85: {  	_ =	shalt  }
0x86: {  	_ =	shalt  }
0x87: {  	_ =	shalt  }
.Lfunc_end0:
.L_simem_size_0:
called_computation_lowered:
.L_overlay_start_0:
0x88: {  	s2 =	sld [smem:$0x3FD9]  }
0x89: {  	s3 =	sld [smem:$0x3FFE];
	_ =	sdelay $0x1  }
0x8a: {  	s1 =	srdreg.scid  }
0x8b: {  	s0 =	sand.u32 $0x1, s1  }
0x8c: {  	s17 =	sshll.u32 s0, $0xA;
	s2 =	sadd.s32 s3, s2  }
0x8d: {  	s2 =	sadd.s32 s2, s17  }
0x8e: {  	[smem:$0x3FC4] =	sst s2  }
0x8f: {  	_ = 	snop  }
0x90: {  	s2 =	sld [smem:$0x3FD0];
	(tm) =	ssettm $0x1  }
0x91: {  	s18 =	sld [smem:$0x3FFB];
	_ =	sdelay $0x3  }
0x92: {  	_ =	strace s18  }
0x93: {  	s3 =	sld [smem:$0x3FFC];
	_ =	sdelay $0x3  }
0x94: {  	_ =	strace s3  }
0x95: {  	s3 =	sld [smem:$0x3FFD];
	_ =	sdelay $0x3  }
0x96: {  	_ =	strace s3  }
0x97: {  	_ =	strace $0x8FFFFFFF  }
0x98: {  	s19 =	sld [smem:$0x3FDB];
	_ =	sdelay $0x1  }
0x99: {  	s4 =	simm.s32 $_scs_section_size  }
0x9a: {  	s5 =	simm.s32 $_size__tile_overlayer_lowered;
	s6 =	simm.s32 $_tile_overlayer_lowered  }
0x9b: {  	s22 =	simm.s32 $0x1BFF;
	s21 =	sshll.u32 s6, $0x1;
	s3 =	sadd.s32 s4, s19  }
0x9c: {  	s7 =	simm.s32 $0x0;
	s20 =	sshll.u32 s5, $0x1;
	s5 =	sadd.s32 s21, s3  }
0x9d: {  	[timem:s7], [sflag:s22] =	dma.local [hbm:s5], s20  }
0x9e: {  	_ =	swait.ge [sflag:s22], s20  }
0x9f: {  	s4 =	ssub.s32 $0x0, s20;
	[sflag:s22] =	ssyncset.done $0x0  }
0xa0: {  	[sflag:s22] =	ssyncadd.s32 s4;
	_ =	sdelay $0x1  }
0xa1: {  	s23 =	simm.s32 $0x1B8B  }
0xa2: {  	_ =	swait.ge [sflag:s23], $0x1  }
0xa3: {  	[sflag:s23] =	ssyncset.done $0x0  }
0xa4: {  	s25 =	simm.s32 $0x1B8E;
	s24 =	sld [smem:$0x3FFE];
	[sflag:s23] =	ssyncadd.s32 $0xFFFFFFFF  }
0xa5: {  	s26 =	simm.s32 $execute0_lowered;
	[smem:$0x3FD2] =	sst s25  }
0xa6: {  	s5 =	sshll.u32 s26, $0x1;
	_ =	strace $0x80000046;
	[dreg:$0x1] =	wrdreg $0xFFFFFFFF  }
0xa7: {  	s28 =	simm.s32 $_size_execute0_lowered;
	s3 =	sadd.s32 s3, s5;
	[dreg:$0x0] =	wrdreg $0x0  }
0xa8: {  	s5 =	sshll.u32 s28, $0x1;
	[dreg:$0x2] =	wrdreg s3  }
0xa9: {  	[dreg:$0x3] =	wrdreg s5  }
0xaa: {  	[dreg:$0x4] =	wrdreg $0xC0  }
0xab: {  	_ =	task [dreg:s7], $0x5FFFF  }
0xac: {  	[dreg:$0x1] =	wrdreg $0xFFFFFFFF  }
0xad: {  	[dreg:$0x0] =	wrdreg $0x60  }
0xae: {  	[dreg:$0x2] =	wrdreg s24  }
0xaf: {  	[dreg:$0x3] =	wrdreg s2  }
0xb0: {  	[dreg:$0x4] =	wrdreg $0x9  }
0xb1: {  	_ =	task.clear_ibuf [dreg:s7], $0x5FFFF;
	_ =	strace $0x90000046  }
0xb2: {  	s29 =	simm.s32 $0x9;
	_ =	strace $0x80000048  }
0xb3: {  	_ =	swait.ge [sflag:s29], $0x1  }
0xb4: {  	[sflag:s29] =	ssyncadd.s32 $0xFFFFFFFF  }
0xb5: {  	_ =	strace $0x90000048  }
0xb6: {  	_ =	sfence  }
0xb7: {  	s30 =	sld [smem:$0x0];
	_ =	sdelay $0x2  }
0xb8: {  	s31 =	sshll.u32 s1, $0xD;
	s1 =	sshrl.u32 s1, $0x2  }
0xb9: {  	s3 =	sand.u32 $0x4000, s31;
	s1 =	sadd.s32 s1, s30  }
0xba: {  	s0 =	sor.u32 s3, s0;
	s1 =	sshll.u32 s1, $0x11  }
0xbb: {  	s0 =	sor.u32 s1, s0  }
0xbc: {  	s0 =	sadd.s32 $0x8F2B, s0  }
0xbd: {  	[sflag:s0] =	ssyncadd.remote.s32 $0x1  }
0xbe: {  	_ =	sfence.sel $0xFFFF  }
0xbf: {  	[dreg:$0x0] =	wrdreg $0xFFFFFFFF;
	(pc) =	sbr.abs _section_cstart, $3  }
0xc0: {  	[dreg:$0x1] =	wrdreg $0xFFFFFFFF  }
0xc1: {  	_ =	task.clear_ibuf [dreg:s7], $0x2FFFF;
	_ =	strace $0x9FFFFFFF  }
0xc2: {  	(tm) =	ssettm $0x7FFFFFFF  }
0xc3: {  	_ =	shalt  }
tec
execute0_lowered:
.L_overlay_start_1:
0x0: {  	(tag) =	ssettag $0x1  }
0x1: {  	s1 =	srdreg.scid  }
0x2: {  	s0 =	stileid.u32;
	s4 =	rddreg [dreg:$0x0]  }
0x3: {  	s13 =	rddreg [dreg:$0x1];
	s2 =	simm.s32 $0x0;
	s17 =	simm.s32 $0x3200  }
0x4: {  	s18 =	simm.s32 $0x1;
	s3 =	sand.u32 $0x1, s1;
	s30 =	sshll.u32 s0, $0x1  }
0x5: {  	s19 =	simm.s32 $0x6400;
	s1 =	rddreg [dreg:$0x2];
	s12 =	sor.u32 s3, s30  }
0x6: {  	s20 =	simm.s32 $0x0;
	[smem:$0x7FF] =	sst s2;
	s5 =	smul.u32 $0x19000, s12  }
0x7: {  	_ =	strace $0x80000047;
	s31 =	ssub.s32 $0x2, s3;
	s3 =	sadd.s32 $0x1E9E00, s4  }
0x8: {  	s6 =	sshrl.u32 s31, $0x1;
	s16 =	sshll.u32 s12, $0x6;
	s5 =	sshrl.u32 s5, $0x3  }
0x9: {  	s15 =	ssub.s32 s31, s6;
	s13 =	sadd.s32 s13, s16;
	s14 =	sadd.s32 s5, s4  }
0xa: {  	v0 =	vlaneseq.u32;
	s16 =	simm.s32 $0x2;
	s4 =	sadd.s32 $0x65800, s4;
	s5 =	sadd.s32 $0x1800, s14  }
0xb: {  	v0 =	vmul.u32 $0xC8, v0;
	s6 =	sadd.s32 $0x1E40, s14;
	s7 =	sadd.s32 $0x2480, s14;
	s8 =	sadd.s32 $0x2AC0, s14  }
0xc: {  	s9 =	sadd.s32 $0x3100, s14;
	s10 =	sadd.s32 $0x3740, s14;
	s11 =	sadd.s32 $0x3D80, s14  }
0xd: {  	v1 =	vadd.s32 $0xC80, v0;
	v2 =	vadd.s32 $0x1900, v0;
	v3 =	vadd.s32 $0x2580, v0;
	s12 =	sadd.s32 $0x43C0, s14;
	s14 =	smax.u32 s15, $0x1;
	s15 =	simm.s32 $0x6600  }
.LBB2_1:
0xe: {  	[tilespmem:s15], [sflag:$0x2] =	stream.linear.gather [hbm4b:s4+s2], $0x80, $0x38;
	[tilespmem:$0x6680] =	vst v63  }
0xf: {  	_ =	swait.ge [sflag:s16], $0x80  }
0x10: {  	[sflag:s16] =	ssyncset.done $0x0  }
0x11: {  	[sflag:s16] =	ssyncadd.s32 $0xFFFFFF80  }
0x12: {  	[tilespmem:s2], [sflag:$0x2] =	stream.linear.gather [hbm4b:s5+s2], $0x3200, $0x38;
	[tilespmem:$0x6680] =	vst v63  }
0x13: {  	_ =	swait.ge [sflag:s16], $0x3200  }
0x14: {  	[sflag:s16] =	ssyncset.done $0x0  }
0x15: {  	v5 =	vadd.s32 s2, v0;
	[sflag:s16] =	ssyncadd.s32 $0xFFFFCE00  }
0x16: {  	[tilespmem:s17], [sflag:$0x1] =	stream.indirect.gather [hbm4b:s3+s17], $0x1, s2, s17, $0xb8;
	[tilespmem:$0x6680] =	vst v63  }
0x17: {  	_ =	swait.ge [sflag:s18], $0x3200  }
0x18: {  	[sflag:s18] =	ssyncset.done $0x0  }
0x19: {  	[sflag:s18] =	ssyncadd.s32 $0xFFFFCE00  }
0x1a: {  	v4 =	vimm.f32 $0.0e+00;
	s21 =	simm.s32 $0x1;
	v5 =	vld.idx.msk [tilespmem:v5+s17+$0x0], $0xffff  }
.LBB2_2:
0x1b: {  	v6 =	vadd.s32 s21, v0;
	p0 =	sne.s32 s21, $0xC7;
	s21 =	sadd.s32 $0x1, s21  }
.Ltmp0:
0x1c: {  	(pc) =	sbr.rel @p0 .LBB2_2-.Ltmp0, $2  }
0x1d: {  	_ =	sdelay $0x2  }
0x1e: {  	v4 =	vadd.f32 v5, v4;
	v5 =	vld.idx.msk [tilespmem:v6+s17+$0x0], $0xffff  }
0x1f: {  	_ =	sdelay $0x2  }
0x20: {  	v6 =	vld [tilespmem:$0x6600]  }
0x21: {  	v4 =	vadd.f32 v5, v4;
	_ =	sdelay $0x1  }
0x22: {  	v4 =	vmul.f32 $4.999999890e-03, v4;
	_ =	sdelay $0x1  }
0x23: {  	v4 =	vadd.f32 v6, v4;
	_ =	sdelay $0x1  }
0x24: {  	v4 =	vsub.f32 $0.0e+00, v4;
	_ =	sdelay $0x1  }
0x25: {  	v4 =	vmul.f32 $1.442695020e+00, v4;
	_ =	sdelay $0x1  }
0x26: {  	(erf) = vpow2.f32 v4;
	_ =	sdelay $0x8  }
0x27: {  	v4 =	vpop (erf)  }
0x28: {  	v4 =	vadd.f32 $1.000000000e+00, v4;
	_ =	sdelay $0x1  }
0x29: {  	(erf) = vrcp.f32 v4;
	_ =	sdelay $0x4  }
0x2a: {  	s21 =	simm.s32 $0x0  }
0x2b: {  	v5 =	vadd.s32 s21, v1;
	_ =	sdelay $0x2  }
0x2c: {  	v4 =	vpop (erf)  }
0x2d: {  	[tilespmem:$0x6400] =	vst v4  }
0x2e: {  	s21 =	simm.s32 $0x1;
	v4 =	vimm.f32 $0.0e+00;
	v5 =	vld.idx.msk [tilespmem:v5+s17+$0x0], $0xffff  }
.LBB2_4:
0x2f: {  	v6 =	vadd.s32 s21, v1;
	p0 =	sne.s32 s21, $0xC7;
	s21 =	sadd.s32 $0x1, s21  }
.Ltmp1:
0x30: {  	(pc) =	sbr.rel @p0 .LBB2_4-.Ltmp1, $2  }
0x31: {  	_ =	sdelay $0x2  }
0x32: {  	v4 =	vadd.f32 v5, v4;
	v5 =	vld.idx.msk [tilespmem:v6+s17+$0x0], $0xffff  }
0x33: {  	_ =	sdelay $0x2  }
0x34: {  	v6 =	vld [tilespmem:$0x6600]  }
0x35: {  	v4 =	vadd.f32 v5, v4;
	_ =	sdelay $0x1  }
0x36: {  	v4 =	vmul.f32 $4.999999890e-03, v4;
	_ =	sdelay $0x1  }
0x37: {  	v4 =	vadd.f32 v6, v4;
	_ =	sdelay $0x1  }
0x38: {  	v4 =	vsub.f32 $0.0e+00, v4;
	_ =	sdelay $0x1  }
0x39: {  	v4 =	vmul.f32 $1.442695020e+00, v4;
	_ =	sdelay $0x1  }
0x3a: {  	(erf) = vpow2.f32 v4;
	_ =	sdelay $0x8  }
0x3b: {  	v4 =	vpop (erf)  }
0x3c: {  	v4 =	vadd.f32 $1.000000000e+00, v4;
	_ =	sdelay $0x1  }
0x3d: {  	(erf) = vrcp.f32 v4;
	_ =	sdelay $0x4  }
0x3e: {  	s21 =	simm.s32 $0x0  }
0x3f: {  	v5 =	vadd.s32 s21, v2;
	_ =	sdelay $0x2  }
0x40: {  	v4 =	vpop (erf)  }
0x41: {  	[tilespmem:$0x6410] =	vst v4  }
0x42: {  	s21 =	simm.s32 $0x1;
	v4 =	vimm.f32 $0.0e+00;
	v5 =	vld.idx.msk [tilespmem:v5+s17+$0x0], $0xffff  }
.LBB2_6:
0x43: {  	v6 =	vadd.s32 s21, v2;
	p0 =	sne.s32 s21, $0xC7;
	s21 =	sadd.s32 $0x1, s21  }
.Ltmp2:
0x44: {  	(pc) =	sbr.rel @p0 .LBB2_6-.Ltmp2, $2  }
0x45: {  	_ =	sdelay $0x2  }
0x46: {  	v4 =	vadd.f32 v5, v4;
	v5 =	vld.idx.msk [tilespmem:v6+s17+$0x0], $0xffff  }
0x47: {  	_ =	sdelay $0x2  }
0x48: {  	v6 =	vld [tilespmem:$0x6600]  }
0x49: {  	v4 =	vadd.f32 v5, v4;
	_ =	sdelay $0x1  }
0x4a: {  	v4 =	vmul.f32 $4.999999890e-03, v4;
	_ =	sdelay $0x1  }
0x4b: {  	v4 =	vadd.f32 v6, v4;
	_ =	sdelay $0x1  }
0x4c: {  	v4 =	vsub.f32 $0.0e+00, v4;
	_ =	sdelay $0x1  }
0x4d: {  	v4 =	vmul.f32 $1.442695020e+00, v4;
	_ =	sdelay $0x1  }
0x4e: {  	(erf) = vpow2.f32 v4;
	_ =	sdelay $0x8  }
0x4f: {  	v4 =	vpop (erf)  }
0x50: {  	v4 =	vadd.f32 $1.000000000e+00, v4;
	_ =	sdelay $0x1  }
0x51: {  	(erf) = vrcp.f32 v4;
	_ =	sdelay $0x4  }
0x52: {  	s21 =	simm.s32 $0x0  }
0x53: {  	v5 =	vadd.s32 s21, v3;
	_ =	sdelay $0x2  }
0x54: {  	v4 =	vpop (erf)  }
0x55: {  	[tilespmem:$0x6420] =	vst v4  }
0x56: {  	s21 =	simm.s32 $0x1;
	v4 =	vimm.f32 $0.0e+00;
	v5 =	vld.idx.msk [tilespmem:v5+s17+$0x0], $0xffff  }
.LBB2_8:
0x57: {  	v6 =	vadd.s32 s21, v3;
	p0 =	sne.s32 s21, $0xC7;
	s21 =	sadd.s32 $0x1, s21  }
.Ltmp3:
0x58: {  	(pc) =	sbr.rel @p0 .LBB2_8-.Ltmp3, $2  }
0x59: {  	_ =	sdelay $0x2  }
0x5a: {  	v4 =	vadd.f32 v5, v4;
	v5 =	vld.idx.msk [tilespmem:v6+s17+$0x0], $0xffff  }
0x5b: {  	_ =	sdelay $0x2  }
0x5c: {  	v6 =	vld [tilespmem:$0x6600]  }
0x5d: {  	v4 =	vadd.f32 v5, v4;
	_ =	sdelay $0x1  }
0x5e: {  	v4 =	vmul.f32 $4.999999890e-03, v4;
	_ =	sdelay $0x1  }
0x5f: {  	v4 =	vadd.f32 v6, v4;
	_ =	sdelay $0x1  }
0x60: {  	v4 =	vsub.f32 $0.0e+00, v4;
	_ =	sdelay $0x1  }
0x61: {  	v4 =	vmul.f32 $1.442695020e+00, v4;
	_ =	sdelay $0x1  }
0x62: {  	(erf) = vpow2.f32 v4;
	_ =	sdelay $0x8  }
0x63: {  	v4 =	vpop (erf)  }
0x64: {  	v4 =	vadd.f32 $1.000000000e+00, v4;
	_ =	sdelay $0x1  }
0x65: {  	(erf) = vrcp.f32 v4;
	_ =	sdelay $0x8  }
0x66: {  	v4 =	vpop (erf)  }
0x67: {  	s21 =	simm.s32 $0x0;
	[tilespmem:$0x6430] =	vst v4  }
0x68: {  	[tilespmem:s21], [sflag:$0x2] =	stream.linear.gather [hbm4b:s6+s21], $0x3200, $0x38;
	[tilespmem:$0x6680] =	vst v63  }
0x69: {  	_ =	swait.ge [sflag:s16], $0x3200  }
0x6a: {  	[sflag:s16] =	ssyncset.done $0x0  }
0x6b: {  	v5 =	vadd.s32 s21, v0;
	[sflag:s16] =	ssyncadd.s32 $0xFFFFCE00  }
0x6c: {  	[tilespmem:s17], [sflag:$0x1] =	stream.indirect.gather [hbm4b:s3+s17], $0x1, s21, s17, $0xb8;
	[tilespmem:$0x6680] =	vst v63  }
0x6d: {  	_ =	swait.ge [sflag:s18], $0x3200  }
0x6e: {  	[sflag:s18] =	ssyncset.done $0x0  }
0x6f: {  	[sflag:s18] =	ssyncadd.s32 $0xFFFFCE00  }
0x70: {  	v4 =	vimm.f32 $0.0e+00;
	s21 =	simm.s32 $0x1;
	v5 =	vld.idx.msk [tilespmem:v5+s17+$0x0], $0xffff  }
.LBB2_10:
0x71: {  	v6 =	vadd.s32 s21, v0;
	p0 =	sne.s32 s21, $0xC7;
	s21 =	sadd.s32 $0x1, s21  }
.Ltmp4:
0x72: {  	(pc) =	sbr.rel @p0 .LBB2_10-.Ltmp4, $2  }
0x73: {  	_ =	sdelay $0x2  }
0x74: {  	v4 =	vadd.f32 v5, v4;
	v5 =	vld.idx.msk [tilespmem:v6+s17+$0x0], $0xffff  }
0x75: {  	_ =	sdelay $0x2  }
0x76: {  	v6 =	vld [tilespmem:$0x6600]  }
0x77: {  	v4 =	vadd.f32 v5, v4;
	_ =	sdelay $0x1  }
0x78: {  	v4 =	vmul.f32 $4.999999890e-03, v4;
	_ =	sdelay $0x1  }
0x79: {  	v4 =	vadd.f32 v6, v4;
	_ =	sdelay $0x1  }
0x7a: {  	v4 =	vsub.f32 $0.0e+00, v4;
	_ =	sdelay $0x1  }
0x7b: {  	v4 =	vmul.f32 $1.442695020e+00, v4;
	_ =	sdelay $0x1  }
0x7c: {  	(erf) = vpow2.f32 v4;
	_ =	sdelay $0x8  }
0x7d: {  	v4 =	vpop (erf)  }
0x7e: {  	v4 =	vadd.f32 $1.000000000e+00, v4;
	_ =	sdelay $0x1  }
0x7f: {  	(erf) = vrcp.f32 v4;
	_ =	sdelay $0x4  }
0x80: {  	s21 =	simm.s32 $0x0  }
0x81: {  	v5 =	vadd.s32 s21, v1;
	_ =	sdelay $0x2  }
0x82: {  	v4 =	vpop (erf)  }
0x83: {  	[tilespmem:$0x6440] =	vst v4  }
0x84: {  	s21 =	simm.s32 $0x1;
	v4 =	vimm.f32 $0.0e+00;
	v5 =	vld.idx.msk [tilespmem:v5+s17+$0x0], $0xffff  }
.LBB2_12:
0x85: {  	v6 =	vadd.s32 s21, v1;
	p0 =	sne.s32 s21, $0xC7;
	s21 =	sadd.s32 $0x1, s21  }
.Ltmp5:
0x86: {  	(pc) =	sbr.rel @p0 .LBB2_12-.Ltmp5, $2  }
0x87: {  	_ =	sdelay $0x2  }
0x88: {  	v4 =	vadd.f32 v5, v4;
	v5 =	vld.idx.msk [tilespmem:v6+s17+$0x0], $0xffff  }
0x89: {  	_ =	sdelay $0x2  }
0x8a: {  	v6 =	vld [tilespmem:$0x6600]  }
0x8b: {  	v4 =	vadd.f32 v5, v4;
	_ =	sdelay $0x1  }
0x8c: {  	v4 =	vmul.f32 $4.999999890e-03, v4;
	_ =	sdelay $0x1  }
0x8d: {  	v4 =	vadd.f32 v6, v4;
	_ =	sdelay $0x1  }
0x8e: {  	v4 =	vsub.f32 $0.0e+00, v4;
	_ =	sdelay $0x1  }
0x8f: {  	v4 =	vmul.f32 $1.442695020e+00, v4;
	_ =	sdelay $0x1  }
0x90: {  	(erf) = vpow2.f32 v4;
	_ =	sdelay $0x8  }
0x91: {  	v4 =	vpop (erf)  }
0x92: {  	v4 =	vadd.f32 $1.000000000e+00, v4;
	_ =	sdelay $0x1  }
0x93: {  	(erf) = vrcp.f32 v4;
	_ =	sdelay $0x4  }
0x94: {  	s21 =	simm.s32 $0x0  }
0x95: {  	v5 =	vadd.s32 s21, v2;
	_ =	sdelay $0x2  }
0x96: {  	v4 =	vpop (erf)  }
0x97: {  	[tilespmem:$0x6450] =	vst v4  }
0x98: {  	s21 =	simm.s32 $0x1;
	v4 =	vimm.f32 $0.0e+00;
	v5 =	vld.idx.msk [tilespmem:v5+s17+$0x0], $0xffff  }
.LBB2_14:
0x99: {  	v6 =	vadd.s32 s21, v2;
	p0 =	sne.s32 s21, $0xC7;
	s21 =	sadd.s32 $0x1, s21  }
.Ltmp6:
0x9a: {  	(pc) =	sbr.rel @p0 .LBB2_14-.Ltmp6, $2  }
0x9b: {  	_ =	sdelay $0x2  }
0x9c: {  	v4 =	vadd.f32 v5, v4;
	v5 =	vld.idx.msk [tilespmem:v6+s17+$0x0], $0xffff  }
0x9d: {  	_ =	sdelay $0x2  }
0x9e: {  	v6 =	vld [tilespmem:$0x6600]  }
0x9f: {  	v4 =	vadd.f32 v5, v4;
	_ =	sdelay $0x1  }
0xa0: {  	v4 =	vmul.f32 $4.999999890e-03, v4;
	_ =	sdelay $0x1  }
0xa1: {  	v4 =	vadd.f32 v6, v4;
	_ =	sdelay $0x1  }
0xa2: {  	v4 =	vsub.f32 $0.0e+00, v4;
	_ =	sdelay $0x1  }
0xa3: {  	v4 =	vmul.f32 $1.442695020e+00, v4;
	_ =	sdelay $0x1  }
0xa4: {  	(erf) = vpow2.f32 v4;
	_ =	sdelay $0x8  }
0xa5: {  	v4 =	vpop (erf)  }
0xa6: {  	v4 =	vadd.f32 $1.000000000e+00, v4;
	_ =	sdelay $0x1  }
0xa7: {  	(erf) = vrcp.f32 v4;
	_ =	sdelay $0x4  }
0xa8: {  	s21 =	simm.s32 $0x0  }
0xa9: {  	v5 =	vadd.s32 s21, v3;
	_ =	sdelay $0x2  }
0xaa: {  	v4 =	vpop (erf)  }
0xab: {  	[tilespmem:$0x6460] =	vst v4  }
0xac: {  	s21 =	simm.s32 $0x1;
	v4 =	vimm.f32 $0.0e+00;
	v5 =	vld.idx.msk [tilespmem:v5+s17+$0x0], $0xffff  }
.LBB2_16:
0xad: {  	v6 =	vadd.s32 s21, v3;
	p0 =	sne.s32 s21, $0xC7;
	s21 =	sadd.s32 $0x1, s21  }
.Ltmp7:
0xae: {  	(pc) =	sbr.rel @p0 .LBB2_16-.Ltmp7, $2  }
0xaf: {  	_ =	sdelay $0x2  }
0xb0: {  	v4 =	vadd.f32 v5, v4;
	v5 =	vld.idx.msk [tilespmem:v6+s17+$0x0], $0xffff  }
0xb1: {  	_ =	sdelay $0x2  }
0xb2: {  	v6 =	vld [tilespmem:$0x6600]  }
0xb3: {  	v4 =	vadd.f32 v5, v4;
	_ =	sdelay $0x1  }
0xb4: {  	v4 =	vmul.f32 $4.999999890e-03, v4;
	_ =	sdelay $0x1  }
0xb5: {  	v4 =	vadd.f32 v6, v4;
	_ =	sdelay $0x1  }
0xb6: {  	v4 =	vsub.f32 $0.0e+00, v4;
	_ =	sdelay $0x1  }
0xb7: {  	v4 =	vmul.f32 $1.442695020e+00, v4;
	_ =	sdelay $0x1  }
0xb8: {  	(erf) = vpow2.f32 v4;
	_ =	sdelay $0x8  }
0xb9: {  	v4 =	vpop (erf)  }
0xba: {  	v4 =	vadd.f32 $1.000000000e+00, v4;
	_ =	sdelay $0x1  }
0xbb: {  	(erf) = vrcp.f32 v4;
	_ =	sdelay $0x8  }
0xbc: {  	v4 =	vpop (erf)  }
0xbd: {  	s21 =	simm.s32 $0x0;
	[tilespmem:$0x6470] =	vst v4  }
0xbe: {  	[tilespmem:s21], [sflag:$0x2] =	stream.linear.gather [hbm4b:s7+s21], $0x3200, $0x38;
	[tilespmem:$0x6680] =	vst v63  }
0xbf: {  	_ =	swait.ge [sflag:s16], $0x3200  }
0xc0: {  	[sflag:s16] =	ssyncset.done $0x0  }
0xc1: {  	v5 =	vadd.s32 s21, v0;
	[sflag:s16] =	ssyncadd.s32 $0xFFFFCE00  }
0xc2: {  	[tilespmem:s17], [sflag:$0x1] =	stream.indirect.gather [hbm4b:s3+s17], $0x1, s21, s17, $0xb8;
	[tilespmem:$0x6680] =	vst v63  }
0xc3: {  	_ =	swait.ge [sflag:s18], $0x3200  }
0xc4: {  	[sflag:s18] =	ssyncset.done $0x0  }
0xc5: {  	[sflag:s18] =	ssyncadd.s32 $0xFFFFCE00  }
0xc6: {  	v4 =	vimm.f32 $0.0e+00;
	s21 =	simm.s32 $0x1;
	v5 =	vld.idx.msk [tilespmem:v5+s17+$0x0], $0xffff  }
.LBB2_18:
0xc7: {  	v6 =	vadd.s32 s21, v0;
	p0 =	sne.s32 s21, $0xC7;
	s21 =	sadd.s32 $0x1, s21  }
.Ltmp8:
0xc8: {  	(pc) =	sbr.rel @p0 .LBB2_18-.Ltmp8, $2  }
0xc9: {  	_ =	sdelay $0x2  }
0xca: {  	v4 =	vadd.f32 v5, v4;
	v5 =	vld.idx.msk [tilespmem:v6+s17+$0x0], $0xffff  }
0xcb: {  	_ =	sdelay $0x2  }
0xcc: {  	v6 =	vld [tilespmem:$0x6600]  }
0xcd: {  	v4 =	vadd.f32 v5, v4;
	_ =	sdelay $0x1  }
0xce: {  	v4 =	vmul.f32 $4.999999890e-03, v4;
	_ =	sdelay $0x1  }
0xcf: {  	v4 =	vadd.f32 v6, v4;
	_ =	sdelay $0x1  }
0xd0: {  	v4 =	vsub.f32 $0.0e+00, v4;
	_ =	sdelay $0x1  }
0xd1: {  	v4 =	vmul.f32 $1.442695020e+00, v4;
	_ =	sdelay $0x1  }
0xd2: {  	(erf) = vpow2.f32 v4;
	_ =	sdelay $0x8  }
0xd3: {  	v4 =	vpop (erf)  }
0xd4: {  	v4 =	vadd.f32 $1.000000000e+00, v4;
	_ =	sdelay $0x1  }
0xd5: {  	(erf) = vrcp.f32 v4;
	_ =	sdelay $0x4  }
0xd6: {  	s21 =	simm.s32 $0x0  }
0xd7: {  	v5 =	vadd.s32 s21, v1;
	_ =	sdelay $0x2  }
0xd8: {  	v4 =	vpop (erf)  }
0xd9: {  	[tilespmem:$0x6480] =	vst v4  }
0xda: {  	s21 =	simm.s32 $0x1;
	v4 =	vimm.f32 $0.0e+00;
	v5 =	vld.idx.msk [tilespmem:v5+s17+$0x0], $0xffff  }
.LBB2_20:
0xdb: {  	v6 =	vadd.s32 s21, v1;
	p0 =	sne.s32 s21, $0xC7;
	s21 =	sadd.s32 $0x1, s21  }
.Ltmp9:
0xdc: {  	(pc) =	sbr.rel @p0 .LBB2_20-.Ltmp9, $2  }
0xdd: {  	_ =	sdelay $0x2  }
0xde: {  	v4 =	vadd.f32 v5, v4;
	v5 =	vld.idx.msk [tilespmem:v6+s17+$0x0], $0xffff  }
0xdf: {  	_ =	sdelay $0x2  }
0xe0: {  	v6 =	vld [tilespmem:$0x6600]  }
0xe1: {  	v4 =	vadd.f32 v5, v4;
	_ =	sdelay $0x1  }
0xe2: {  	v4 =	vmul.f32 $4.999999890e-03, v4;
	_ =	sdelay $0x1  }
0xe3: {  	v4 =	vadd.f32 v6, v4;
	_ =	sdelay $0x1  }
0xe4: {  	v4 =	vsub.f32 $0.0e+00, v4;
	_ =	sdelay $0x1  }
0xe5: {  	v4 =	vmul.f32 $1.442695020e+00, v4;
	_ =	sdelay $0x1  }
0xe6: {  	(erf) = vpow2.f32 v4;
	_ =	sdelay $0x8  }
0xe7: {  	v4 =	vpop (erf)  }
0xe8: {  	v4 =	vadd.f32 $1.000000000e+00, v4;
	_ =	sdelay $0x1  }
0xe9: {  	(erf) = vrcp.f32 v4;
	_ =	sdelay $0x4  }
0xea: {  	s21 =	simm.s32 $0x0  }
0xeb: {  	v5 =	vadd.s32 s21, v2;
	_ =	sdelay $0x2  }
0xec: {  	v4 =	vpop (erf)  }
0xed: {  	[tilespmem:$0x6490] =	vst v4  }
0xee: {  	s21 =	simm.s32 $0x1;
	v4 =	vimm.f32 $0.0e+00;
	v5 =	vld.idx.msk [tilespmem:v5+s17+$0x0], $0xffff  }
.LBB2_22:
0xef: {  	v6 =	vadd.s32 s21, v2;
	p0 =	sne.s32 s21, $0xC7;
	s21 =	sadd.s32 $0x1, s21  }
.Ltmp10:
0xf0: {  	(pc) =	sbr.rel @p0 .LBB2_22-.Ltmp10, $2  }
0xf1: {  	_ =	sdelay $0x2  }
0xf2: {  	v4 =	vadd.f32 v5, v4;
	v5 =	vld.idx.msk [tilespmem:v6+s17+$0x0], $0xffff  }
0xf3: {  	_ =	sdelay $0x2  }
0xf4: {  	v6 =	vld [tilespmem:$0x6600]  }
0xf5: {  	v4 =	vadd.f32 v5, v4;
	_ =	sdelay $0x1  }
0xf6: {  	v4 =	vmul.f32 $4.999999890e-03, v4;
	_ =	sdelay $0x1  }
0xf7: {  	v4 =	vadd.f32 v6, v4;
	_ =	sdelay $0x1  }
0xf8: {  	v4 =	vsub.f32 $0.0e+00, v4;
	_ =	sdelay $0x1  }
0xf9: {  	v4 =	vmul.f32 $1.442695020e+00, v4;
	_ =	sdelay $0x1  }
0xfa: {  	(erf) = vpow2.f32 v4;
	_ =	sdelay $0x8  }
0xfb: {  	v4 =	vpop (erf)  }
0xfc: {  	v4 =	vadd.f32 $1.000000000e+00, v4;
	_ =	sdelay $0x1  }
0xfd: {  	(erf) = vrcp.f32 v4;
	_ =	sdelay $0x4  }
0xfe: {  	s21 =	simm.s32 $0x0  }
0xff: {  	v5 =	vadd.s32 s21, v3;
	_ =	sdelay $0x2  }
0x100: {  	v4 =	vpop (erf)  }
0x101: {  	[tilespmem:$0x64A0] =	vst v4  }
0x102: {  	s21 =	simm.s32 $0x1;
	v4 =	vimm.f32 $0.0e+00;
	v5 =	vld.idx.msk [tilespmem:v5+s17+$0x0], $0xffff  }
.LBB2_24:
0x103: {  	v6 =	vadd.s32 s21, v3;
	p0 =	sne.s32 s21, $0xC7;
	s21 =	sadd.s32 $0x1, s21  }
.Ltmp11:
0x104: {  	(pc) =	sbr.rel @p0 .LBB2_24-.Ltmp11, $2  }
0x105: {  	_ =	sdelay $0x2  }
0x106: {  	v4 =	vadd.f32 v5, v4;
	v5 =	vld.idx.msk [tilespmem:v6+s17+$0x0], $0xffff  }
0x107: {  	_ =	sdelay $0x2  }
0x108: {  	v6 =	vld [tilespmem:$0x6600]  }
0x109: {  	v4 =	vadd.f32 v5, v4;
	_ =	sdelay $0x1  }
0x10a: {  	v4 =	vmul.f32 $4.999999890e-03, v4;
	_ =	sdelay $0x1  }
0x10b: {  	v4 =	vadd.f32 v6, v4;
	_ =	sdelay $0x1  }
0x10c: {  	v4 =	vsub.f32 $0.0e+00, v4;
	_ =	sdelay $0x1  }
0x10d: {  	v4 =	vmul.f32 $1.442695020e+00, v4;
	_ =	sdelay $0x1  }
0x10e: {  	(erf) = vpow2.f32 v4;
	_ =	sdelay $0x8  }
0x10f: {  	v4 =	vpop (erf)  }
0x110: {  	v4 =	vadd.f32 $1.000000000e+00, v4;
	_ =	sdelay $0x1  }
0x111: {  	(erf) = vrcp.f32 v4;
	_ =	sdelay $0x8  }
0x112: {  	v4 =	vpop (erf)  }
0x113: {  	s21 =	simm.s32 $0x0;
	[tilespmem:$0x64B0] =	vst v4  }
0x114: {  	[tilespmem:s21], [sflag:$0x2] =	stream.linear.gather [hbm4b:s8+s21], $0x3200, $0x38;
	[tilespmem:$0x6680] =	vst v63  }
0x115: {  	_ =	swait.ge [sflag:s16], $0x3200  }
0x116: {  	[sflag:s16] =	ssyncset.done $0x0  }
0x117: {  	v5 =	vadd.s32 s21, v0;
	[sflag:s16] =	ssyncadd.s32 $0xFFFFCE00  }
0x118: {  	[tilespmem:s17], [sflag:$0x1] =	stream.indirect.gather [hbm4b:s3+s17], $0x1, s21, s17, $0xb8;
	[tilespmem:$0x6680] =	vst v63  }
0x119: {  	_ =	swait.ge [sflag:s18], $0x3200  }
0x11a: {  	[sflag:s18] =	ssyncset.done $0x0  }
0x11b: {  	[sflag:s18] =	ssyncadd.s32 $0xFFFFCE00  }
0x11c: {  	v4 =	vimm.f32 $0.0e+00;
	s21 =	simm.s32 $0x1;
	v5 =	vld.idx.msk [tilespmem:v5+s17+$0x0], $0xffff  }
.LBB2_26:
0x11d: {  	v6 =	vadd.s32 s21, v0;
	p0 =	sne.s32 s21, $0xC7;
	s21 =	sadd.s32 $0x1, s21  }
.Ltmp12:
0x11e: {  	(pc) =	sbr.rel @p0 .LBB2_26-.Ltmp12, $2  }
0x11f: {  	_ =	sdelay $0x2  }
0x120: {  	v4 =	vadd.f32 v5, v4;
	v5 =	vld.idx.msk [tilespmem:v6+s17+$0x0], $0xffff  }
0x121: {  	_ =	sdelay $0x2  }
0x122: {  	v6 =	vld [tilespmem:$0x6600]  }
0x123: {  	v4 =	vadd.f32 v5, v4;
	_ =	sdelay $0x1  }
0x124: {  	v4 =	vmul.f32 $4.999999890e-03, v4;
	_ =	sdelay $0x1  }
0x125: {  	v4 =	vadd.f32 v6, v4;
	_ =	sdelay $0x1  }
0x126: {  	v4 =	vsub.f32 $0.0e+00, v4;
	_ =	sdelay $0x1  }
0x127: {  	v4 =	vmul.f32 $1.442695020e+00, v4;
	_ =	sdelay $0x1  }
0x128: {  	(erf) = vpow2.f32 v4;
	_ =	sdelay $0x8  }
0x129: {  	v4 =	vpop (erf)  }
0x12a: {  	v4 =	vadd.f32 $1.000000000e+00, v4;
	_ =	sdelay $0x1  }
0x12b: {  	(erf) = vrcp.f32 v4;
	_ =	sdelay $0x4  }
0x12c: {  	s21 =	simm.s32 $0x0  }
0x12d: {  	v5 =	vadd.s32 s21, v1;
	_ =	sdelay $0x2  }
0x12e: {  	v4 =	vpop (erf)  }
0x12f: {  	[tilespmem:$0x64C0] =	vst v4  }
0x130: {  	s21 =	simm.s32 $0x1;
	v4 =	vimm.f32 $0.0e+00;
	v5 =	vld.idx.msk [tilespmem:v5+s17+$0x0], $0xffff  }
.LBB2_28:
0x131: {  	v6 =	vadd.s32 s21, v1;
	p0 =	sne.s32 s21, $0xC7;
	s21 =	sadd.s32 $0x1, s21  }
.Ltmp13:
0x132: {  	(pc) =	sbr.rel @p0 .LBB2_28-.Ltmp13, $2  }
0x133: {  	_ =	sdelay $0x2  }
0x134: {  	v4 =	vadd.f32 v5, v4;
	v5 =	vld.idx.msk [tilespmem:v6+s17+$0x0], $0xffff  }
0x135: {  	_ =	sdelay $0x2  }
0x136: {  	v6 =	vld [tilespmem:$0x6600]  }
0x137: {  	v4 =	vadd.f32 v5, v4;
	_ =	sdelay $0x1  }
0x138: {  	v4 =	vmul.f32 $4.999999890e-03, v4;
	_ =	sdelay $0x1  }
0x139: {  	v4 =	vadd.f32 v6, v4;
	_ =	sdelay $0x1  }
0x13a: {  	v4 =	vsub.f32 $0.0e+00, v4;
	_ =	sdelay $0x1  }
0x13b: {  	v4 =	vmul.f32 $1.442695020e+00, v4;
	_ =	sdelay $0x1  }
0x13c: {  	(erf) = vpow2.f32 v4;
	_ =	sdelay $0x8  }
0x13d: {  	v4 =	vpop (erf)  }
0x13e: {  	v4 =	vadd.f32 $1.000000000e+00, v4;
	_ =	sdelay $0x1  }
0x13f: {  	(erf) = vrcp.f32 v4;
	_ =	sdelay $0x4  }
0x140: {  	s21 =	simm.s32 $0x0  }
0x141: {  	v5 =	vadd.s32 s21, v2;
	_ =	sdelay $0x2  }
0x142: {  	v4 =	vpop (erf)  }
0x143: {  	[tilespmem:$0x64D0] =	vst v4  }
0x144: {  	s21 =	simm.s32 $0x1;
	v4 =	vimm.f32 $0.0e+00;
	v5 =	vld.idx.msk [tilespmem:v5+s17+$0x0], $0xffff  }
.LBB2_30:
0x145: {  	v6 =	vadd.s32 s21, v2;
	p0 =	sne.s32 s21, $0xC7;
	s21 =	sadd.s32 $0x1, s21  }
.Ltmp14:
0x146: {  	(pc) =	sbr.rel @p0 .LBB2_30-.Ltmp14, $2  }
0x147: {  	_ =	sdelay $0x2  }
0x148: {  	v4 =	vadd.f32 v5, v4;
	v5 =	vld.idx.msk [tilespmem:v6+s17+$0x0], $0xffff  }
0x149: {  	_ =	sdelay $0x2  }
0x14a: {  	v6 =	vld [tilespmem:$0x6600]  }
0x14b: {  	v4 =	vadd.f32 v5, v4;
	_ =	sdelay $0x1  }
0x14c: {  	v4 =	vmul.f32 $4.999999890e-03, v4;
	_ =	sdelay $0x1  }
0x14d: {  	v4 =	vadd.f32 v6, v4;
	_ =	sdelay $0x1  }
0x14e: {  	v4 =	vsub.f32 $0.0e+00, v4;
	_ =	sdelay $0x1  }
0x14f: {  	v4 =	vmul.f32 $1.442695020e+00, v4;
	_ =	sdelay $0x1  }
0x150: {  	(erf) = vpow2.f32 v4;
	_ =	sdelay $0x8  }
0x151: {  	v4 =	vpop (erf)  }
0x152: {  	v4 =	vadd.f32 $1.000000000e+00, v4;
	_ =	sdelay $0x1  }
0x153: {  	(erf) = vrcp.f32 v4;
	_ =	sdelay $0x4  }
0x154: {  	s21 =	simm.s32 $0x0  }
0x155: {  	v5 =	vadd.s32 s21, v3;
	_ =	sdelay $0x2  }
0x156: {  	v4 =	vpop (erf)  }
0x157: {  	[tilespmem:$0x64E0] =	vst v4  }
0x158: {  	s21 =	simm.s32 $0x1;
	v4 =	vimm.f32 $0.0e+00;
	v5 =	vld.idx.msk [tilespmem:v5+s17+$0x0], $0xffff  }
.LBB2_32:
0x159: {  	v6 =	vadd.s32 s21, v3;
	p0 =	sne.s32 s21, $0xC7;
	s21 =	sadd.s32 $0x1, s21  }
.Ltmp15:
0x15a: {  	(pc) =	sbr.rel @p0 .LBB2_32-.Ltmp15, $2  }
0x15b: {  	_ =	sdelay $0x2  }
0x15c: {  	v4 =	vadd.f32 v5, v4;
	v5 =	vld.idx.msk [tilespmem:v6+s17+$0x0], $0xffff  }
0x15d: {  	_ =	sdelay $0x2  }
0x15e: {  	v6 =	vld [tilespmem:$0x6600]  }
0x15f: {  	v4 =	vadd.f32 v5, v4;
	_ =	sdelay $0x1  }
0x160: {  	v4 =	vmul.f32 $4.999999890e-03, v4;
	_ =	sdelay $0x1  }
0x161: {  	v4 =	vadd.f32 v6, v4;
	_ =	sdelay $0x1  }
0x162: {  	v4 =	vsub.f32 $0.0e+00, v4;
	_ =	sdelay $0x1  }
0x163: {  	v4 =	vmul.f32 $1.442695020e+00, v4;
	_ =	sdelay $0x1  }
0x164: {  	(erf) = vpow2.f32 v4;
	_ =	sdelay $0x8  }
0x165: {  	v4 =	vpop (erf)  }
0x166: {  	v4 =	vadd.f32 $1.000000000e+00, v4;
	_ =	sdelay $0x1  }
0x167: {  	(erf) = vrcp.f32 v4;
	_ =	sdelay $0x8  }
0x168: {  	v4 =	vpop (erf)  }
0x169: {  	s21 =	simm.s32 $0x0;
	[tilespmem:$0x64F0] =	vst v4  }
0x16a: {  	[tilespmem:s21], [sflag:$0x2] =	stream.linear.gather [hbm4b:s9+s21], $0x3200, $0x38;
	[tilespmem:$0x6680] =	vst v63  }
0x16b: {  	_ =	swait.ge [sflag:s16], $0x3200  }
0x16c: {  	[sflag:s16] =	ssyncset.done $0x0  }
0x16d: {  	v5 =	vadd.s32 s21, v0;
	[sflag:s16] =	ssyncadd.s32 $0xFFFFCE00  }
0x16e: {  	[tilespmem:s17], [sflag:$0x1] =	stream.indirect.gather [hbm4b:s3+s17], $0x1, s21, s17, $0xb8;
	[tilespmem:$0x6680] =	vst v63  }
0x16f: {  	_ =	swait.ge [sflag:s18], $0x3200  }
0x170: {  	[sflag:s18] =	ssyncset.done $0x0  }
0x171: {  	[sflag:s18] =	ssyncadd.s32 $0xFFFFCE00  }
0x172: {  	v4 =	vimm.f32 $0.0e+00;
	s21 =	simm.s32 $0x1;
	v5 =	vld.idx.msk [tilespmem:v5+s17+$0x0], $0xffff  }
.LBB2_34:
0x173: {  	v6 =	vadd.s32 s21, v0;
	p0 =	sne.s32 s21, $0xC7;
	s21 =	sadd.s32 $0x1, s21  }
.Ltmp16:
0x174: {  	(pc) =	sbr.rel @p0 .LBB2_34-.Ltmp16, $2  }
0x175: {  	_ =	sdelay $0x2  }
0x176: {  	v4 =	vadd.f32 v5, v4;
	v5 =	vld.idx.msk [tilespmem:v6+s17+$0x0], $0xffff  }
0x177: {  	_ =	sdelay $0x2  }
0x178: {  	v6 =	vld [tilespmem:$0x6600]  }
0x179: {  	v4 =	vadd.f32 v5, v4;
	_ =	sdelay $0x1  }
0x17a: {  	v4 =	vmul.f32 $4.999999890e-03, v4;
	_ =	sdelay $0x1  }
0x17b: {  	v4 =	vadd.f32 v6, v4;
	_ =	sdelay $0x1  }
0x17c: {  	v4 =	vsub.f32 $0.0e+00, v4;
	_ =	sdelay $0x1  }
0x17d: {  	v4 =	vmul.f32 $1.442695020e+00, v4;
	_ =	sdelay $0x1  }
0x17e: {  	(erf) = vpow2.f32 v4;
	_ =	sdelay $0x8  }
0x17f: {  	v4 =	vpop (erf)  }
0x180: {  	v4 =	vadd.f32 $1.000000000e+00, v4;
	_ =	sdelay $0x1  }
0x181: {  	(erf) = vrcp.f32 v4;
	_ =	sdelay $0x4  }
0x182: {  	s21 =	simm.s32 $0x0  }
0x183: {  	v5 =	vadd.s32 s21, v1;
	_ =	sdelay $0x2  }
0x184: {  	v4 =	vpop (erf)  }
0x185: {  	[tilespmem:$0x6500] =	vst v4  }
0x186: {  	s21 =	simm.s32 $0x1;
	v4 =	vimm.f32 $0.0e+00;
	v5 =	vld.idx.msk [tilespmem:v5+s17+$0x0], $0xffff  }
.LBB2_36:
0x187: {  	v6 =	vadd.s32 s21, v1;
	p0 =	sne.s32 s21, $0xC7;
	s21 =	sadd.s32 $0x1, s21  }
.Ltmp17:
0x188: {  	(pc) =	sbr.rel @p0 .LBB2_36-.Ltmp17, $2  }
0x189: {  	_ =	sdelay $0x2  }
0x18a: {  	v4 =	vadd.f32 v5, v4;
	v5 =	vld.idx.msk [tilespmem:v6+s17+$0x0], $0xffff  }
0x18b: {  	_ =	sdelay $0x2  }
0x18c: {  	v6 =	vld [tilespmem:$0x6600]  }
0x18d: {  	v4 =	vadd.f32 v5, v4;
	_ =	sdelay $0x1  }
0x18e: {  	v4 =	vmul.f32 $4.999999890e-03, v4;
	_ =	sdelay $0x1  }
0x18f: {  	v4 =	vadd.f32 v6, v4;
	_ =	sdelay $0x1  }
0x190: {  	v4 =	vsub.f32 $0.0e+00, v4;
	_ =	sdelay $0x1  }
0x191: {  	v4 =	vmul.f32 $1.442695020e+00, v4;
	_ =	sdelay $0x1  }
0x192: {  	(erf) = vpow2.f32 v4;
	_ =	sdelay $0x8  }
0x193: {  	v4 =	vpop (erf)  }
0x194: {  	v4 =	vadd.f32 $1.000000000e+00, v4;
	_ =	sdelay $0x1  }
0x195: {  	(erf) = vrcp.f32 v4;
	_ =	sdelay $0x4  }
0x196: {  	s21 =	simm.s32 $0x0  }
0x197: {  	v5 =	vadd.s32 s21, v2;
	_ =	sdelay $0x2  }
0x198: {  	v4 =	vpop (erf)  }
0x199: {  	[tilespmem:$0x6510] =	vst v4  }
0x19a: {  	s21 =	simm.s32 $0x1;
	v4 =	vimm.f32 $0.0e+00;
	v5 =	vld.idx.msk [tilespmem:v5+s17+$0x0], $0xffff  }
.LBB2_38:
0x19b: {  	v6 =	vadd.s32 s21, v2;
	p0 =	sne.s32 s21, $0xC7;
	s21 =	sadd.s32 $0x1, s21  }
.Ltmp18:
0x19c: {  	(pc) =	sbr.rel @p0 .LBB2_38-.Ltmp18, $2  }
0x19d: {  	_ =	sdelay $0x2  }
0x19e: {  	v4 =	vadd.f32 v5, v4;
	v5 =	vld.idx.msk [tilespmem:v6+s17+$0x0], $0xffff  }
0x19f: {  	_ =	sdelay $0x2  }
0x1a0: {  	v6 =	vld [tilespmem:$0x6600]  }
0x1a1: {  	v4 =	vadd.f32 v5, v4;
	_ =	sdelay $0x1  }
0x1a2: {  	v4 =	vmul.f32 $4.999999890e-03, v4;
	_ =	sdelay $0x1  }
0x1a3: {  	v4 =	vadd.f32 v6, v4;
	_ =	sdelay $0x1  }
0x1a4: {  	v4 =	vsub.f32 $0.0e+00, v4;
	_ =	sdelay $0x1  }
0x1a5: {  	v4 =	vmul.f32 $1.442695020e+00, v4;
	_ =	sdelay $0x1  }
0x1a6: {  	(erf) = vpow2.f32 v4;
	_ =	sdelay $0x8  }
0x1a7: {  	v4 =	vpop (erf)  }
0x1a8: {  	v4 =	vadd.f32 $1.000000000e+00, v4;
	_ =	sdelay $0x1  }
0x1a9: {  	(erf) = vrcp.f32 v4;
	_ =	sdelay $0x4  }
0x1aa: {  	s21 =	simm.s32 $0x0  }
0x1ab: {  	v5 =	vadd.s32 s21, v3;
	_ =	sdelay $0x2  }
0x1ac: {  	v4 =	vpop (erf)  }
0x1ad: {  	[tilespmem:$0x6520] =	vst v4  }
0x1ae: {  	s21 =	simm.s32 $0x1;
	v4 =	vimm.f32 $0.0e+00;
	v5 =	vld.idx.msk [tilespmem:v5+s17+$0x0], $0xffff  }
.LBB2_40:
0x1af: {  	v6 =	vadd.s32 s21, v3;
	p0 =	sne.s32 s21, $0xC7;
	s21 =	sadd.s32 $0x1, s21  }
.Ltmp19:
0x1b0: {  	(pc) =	sbr.rel @p0 .LBB2_40-.Ltmp19, $2  }
0x1b1: {  	_ =	sdelay $0x2  }
0x1b2: {  	v4 =	vadd.f32 v5, v4;
	v5 =	vld.idx.msk [tilespmem:v6+s17+$0x0], $0xffff  }
0x1b3: {  	_ =	sdelay $0x2  }
0x1b4: {  	v6 =	vld [tilespmem:$0x6600]  }
0x1b5: {  	v4 =	vadd.f32 v5, v4;
	_ =	sdelay $0x1  }
0x1b6: {  	v4 =	vmul.f32 $4.999999890e-03, v4;
	_ =	sdelay $0x1  }
0x1b7: {  	v4 =	vadd.f32 v6, v4;
	_ =	sdelay $0x1  }
0x1b8: {  	v4 =	vsub.f32 $0.0e+00, v4;
	_ =	sdelay $0x1  }
0x1b9: {  	v4 =	vmul.f32 $1.442695020e+00, v4;
	_ =	sdelay $0x1  }
0x1ba: {  	(erf) = vpow2.f32 v4;
	_ =	sdelay $0x8  }
0x1bb: {  	v4 =	vpop (erf)  }
0x1bc: {  	v4 =	vadd.f32 $1.000000000e+00, v4;
	_ =	sdelay $0x1  }
0x1bd: {  	(erf) = vrcp.f32 v4;
	_ =	sdelay $0x8  }
0x1be: {  	v4 =	vpop (erf)  }
0x1bf: {  	s21 =	simm.s32 $0x0;
	[tilespmem:$0x6530] =	vst v4  }
0x1c0: {  	[tilespmem:s21], [sflag:$0x2] =	stream.linear.gather [hbm4b:s10+s21], $0x3200, $0x38;
	[tilespmem:$0x6680] =	vst v63  }
0x1c1: {  	_ =	swait.ge [sflag:s16], $0x3200  }
0x1c2: {  	[sflag:s16] =	ssyncset.done $0x0  }
0x1c3: {  	v5 =	vadd.s32 s21, v0;
	[sflag:s16] =	ssyncadd.s32 $0xFFFFCE00  }
0x1c4: {  	[tilespmem:s17], [sflag:$0x1] =	stream.indirect.gather [hbm4b:s3+s17], $0x1, s21, s17, $0xb8;
	[tilespmem:$0x6680] =	vst v63  }
0x1c5: {  	_ =	swait.ge [sflag:s18], $0x3200  }
0x1c6: {  	[sflag:s18] =	ssyncset.done $0x0  }
0x1c7: {  	[sflag:s18] =	ssyncadd.s32 $0xFFFFCE00  }
0x1c8: {  	v4 =	vimm.f32 $0.0e+00;
	s21 =	simm.s32 $0x1;
	v5 =	vld.idx.msk [tilespmem:v5+s17+$0x0], $0xffff  }
.LBB2_42:
0x1c9: {  	v6 =	vadd.s32 s21, v0;
	p0 =	sne.s32 s21, $0xC7;
	s21 =	sadd.s32 $0x1, s21  }
.Ltmp20:
0x1ca: {  	(pc) =	sbr.rel @p0 .LBB2_42-.Ltmp20, $2  }
0x1cb: {  	_ =	sdelay $0x2  }
0x1cc: {  	v4 =	vadd.f32 v5, v4;
	v5 =	vld.idx.msk [tilespmem:v6+s17+$0x0], $0xffff  }
0x1cd: {  	_ =	sdelay $0x2  }
0x1ce: {  	v6 =	vld [tilespmem:$0x6600]  }
0x1cf: {  	v4 =	vadd.f32 v5, v4;
	_ =	sdelay $0x1  }
0x1d0: {  	v4 =	vmul.f32 $4.999999890e-03, v4;
	_ =	sdelay $0x1  }
0x1d1: {  	v4 =	vadd.f32 v6, v4;
	_ =	sdelay $0x1  }
0x1d2: {  	v4 =	vsub.f32 $0.0e+00, v4;
	_ =	sdelay $0x1  }
0x1d3: {  	v4 =	vmul.f32 $1.442695020e+00, v4;
	_ =	sdelay $0x1  }
0x1d4: {  	(erf) = vpow2.f32 v4;
	_ =	sdelay $0x8  }
0x1d5: {  	v4 =	vpop (erf)  }
0x1d6: {  	v4 =	vadd.f32 $1.000000000e+00, v4;
	_ =	sdelay $0x1  }
0x1d7: {  	(erf) = vrcp.f32 v4;
	_ =	sdelay $0x4  }
0x1d8: {  	s21 =	simm.s32 $0x0  }
0x1d9: {  	v5 =	vadd.s32 s21, v1;
	_ =	sdelay $0x2  }
0x1da: {  	v4 =	vpop (erf)  }
0x1db: {  	[tilespmem:$0x6540] =	vst v4  }
0x1dc: {  	s21 =	simm.s32 $0x1;
	v4 =	vimm.f32 $0.0e+00;
	v5 =	vld.idx.msk [tilespmem:v5+s17+$0x0], $0xffff  }
.LBB2_44:
0x1dd: {  	v6 =	vadd.s32 s21, v1;
	p0 =	sne.s32 s21, $0xC7;
	s21 =	sadd.s32 $0x1, s21  }
.Ltmp21:
0x1de: {  	(pc) =	sbr.rel @p0 .LBB2_44-.Ltmp21, $2  }
0x1df: {  	_ =	sdelay $0x2  }
0x1e0: {  	v4 =	vadd.f32 v5, v4;
	v5 =	vld.idx.msk [tilespmem:v6+s17+$0x0], $0xffff  }
0x1e1: {  	_ =	sdelay $0x2  }
0x1e2: {  	v6 =	vld [tilespmem:$0x6600]  }
0x1e3: {  	v4 =	vadd.f32 v5, v4;
	_ =	sdelay $0x1  }
0x1e4: {  	v4 =	vmul.f32 $4.999999890e-03, v4;
	_ =	sdelay $0x1  }
0x1e5: {  	v4 =	vadd.f32 v6, v4;
	_ =	sdelay $0x1  }
0x1e6: {  	v4 =	vsub.f32 $0.0e+00, v4;
	_ =	sdelay $0x1  }
0x1e7: {  	v4 =	vmul.f32 $1.442695020e+00, v4;
	_ =	sdelay $0x1  }
0x1e8: {  	(erf) = vpow2.f32 v4;
	_ =	sdelay $0x8  }
0x1e9: {  	v4 =	vpop (erf)  }
0x1ea: {  	v4 =	vadd.f32 $1.000000000e+00, v4;
	_ =	sdelay $0x1  }
0x1eb: {  	(erf) = vrcp.f32 v4;
	_ =	sdelay $0x4  }
0x1ec: {  	s21 =	simm.s32 $0x0  }
0x1ed: {  	v5 =	vadd.s32 s21, v2;
	_ =	sdelay $0x2  }
0x1ee: {  	v4 =	vpop (erf)  }
0x1ef: {  	[tilespmem:$0x6550] =	vst v4  }
0x1f0: {  	s21 =	simm.s32 $0x1;
	v4 =	vimm.f32 $0.0e+00;
	v5 =	vld.idx.msk [tilespmem:v5+s17+$0x0], $0xffff  }
.LBB2_46:
0x1f1: {  	v6 =	vadd.s32 s21, v2;
	p0 =	sne.s32 s21, $0xC7;
	s21 =	sadd.s32 $0x1, s21  }
.Ltmp22:
0x1f2: {  	(pc) =	sbr.rel @p0 .LBB2_46-.Ltmp22, $2  }
0x1f3: {  	_ =	sdelay $0x2  }
0x1f4: {  	v4 =	vadd.f32 v5, v4;
	v5 =	vld.idx.msk [tilespmem:v6+s17+$0x0], $0xffff  }
0x1f5: {  	_ =	sdelay $0x2  }
0x1f6: {  	v6 =	vld [tilespmem:$0x6600]  }
0x1f7: {  	v4 =	vadd.f32 v5, v4;
	_ =	sdelay $0x1  }
0x1f8: {  	v4 =	vmul.f32 $4.999999890e-03, v4;
	_ =	sdelay $0x1  }
0x1f9: {  	v4 =	vadd.f32 v6, v4;
	_ =	sdelay $0x1  }
0x1fa: {  	v4 =	vsub.f32 $0.0e+00, v4;
	_ =	sdelay $0x1  }
0x1fb: {  	v4 =	vmul.f32 $1.442695020e+00, v4;
	_ =	sdelay $0x1  }
0x1fc: {  	(erf) = vpow2.f32 v4;
	_ =	sdelay $0x8  }
0x1fd: {  	v4 =	vpop (erf)  }
0x1fe: {  	v4 =	vadd.f32 $1.000000000e+00, v4;
	_ =	sdelay $0x1  }
0x1ff: {  	(erf) = vrcp.f32 v4;
	_ =	sdelay $0x4  }
0x200: {  	s21 =	simm.s32 $0x0  }
0x201: {  	v5 =	vadd.s32 s21, v3;
	_ =	sdelay $0x2  }
0x202: {  	v4 =	vpop (erf)  }
0x203: {  	[tilespmem:$0x6560] =	vst v4  }
0x204: {  	s21 =	simm.s32 $0x1;
	v4 =	vimm.f32 $0.0e+00;
	v5 =	vld.idx.msk [tilespmem:v5+s17+$0x0], $0xffff  }
.LBB2_48:
0x205: {  	v6 =	vadd.s32 s21, v3;
	p0 =	sne.s32 s21, $0xC7;
	s21 =	sadd.s32 $0x1, s21  }
.Ltmp23:
0x206: {  	(pc) =	sbr.rel @p0 .LBB2_48-.Ltmp23, $2  }
0x207: {  	_ =	sdelay $0x2  }
0x208: {  	v4 =	vadd.f32 v5, v4;
	v5 =	vld.idx.msk [tilespmem:v6+s17+$0x0], $0xffff  }
0x209: {  	_ =	sdelay $0x2  }
0x20a: {  	v6 =	vld [tilespmem:$0x6600]  }
0x20b: {  	v4 =	vadd.f32 v5, v4;
	_ =	sdelay $0x1  }
0x20c: {  	v4 =	vmul.f32 $4.999999890e-03, v4;
	_ =	sdelay $0x1  }
0x20d: {  	v4 =	vadd.f32 v6, v4;
	_ =	sdelay $0x1  }
0x20e: {  	v4 =	vsub.f32 $0.0e+00, v4;
	_ =	sdelay $0x1  }
0x20f: {  	v4 =	vmul.f32 $1.442695020e+00, v4;
	_ =	sdelay $0x1  }
0x210: {  	(erf) = vpow2.f32 v4;
	_ =	sdelay $0x8  }
0x211: {  	v4 =	vpop (erf)  }
0x212: {  	v4 =	vadd.f32 $1.000000000e+00, v4;
	_ =	sdelay $0x1  }
0x213: {  	(erf) = vrcp.f32 v4;
	_ =	sdelay $0x8  }
0x214: {  	v4 =	vpop (erf)  }
0x215: {  	s21 =	simm.s32 $0x0;
	[tilespmem:$0x6570] =	vst v4  }
0x216: {  	[tilespmem:s21], [sflag:$0x2] =	stream.linear.gather [hbm4b:s11+s21], $0x3200, $0x38;
	[tilespmem:$0x6680] =	vst v63  }
0x217: {  	_ =	swait.ge [sflag:s16], $0x3200  }
0x218: {  	[sflag:s16] =	ssyncset.done $0x0  }
0x219: {  	v5 =	vadd.s32 s21, v0;
	[sflag:s16] =	ssyncadd.s32 $0xFFFFCE00  }
0x21a: {  	[tilespmem:s17], [sflag:$0x1] =	stream.indirect.gather [hbm4b:s3+s17], $0x1, s21, s17, $0xb8;
	[tilespmem:$0x6680] =	vst v63  }
0x21b: {  	_ =	swait.ge [sflag:s18], $0x3200  }
0x21c: {  	[sflag:s18] =	ssyncset.done $0x0  }
0x21d: {  	[sflag:s18] =	ssyncadd.s32 $0xFFFFCE00  }
0x21e: {  	v4 =	vimm.f32 $0.0e+00;
	s21 =	simm.s32 $0x1;
	v5 =	vld.idx.msk [tilespmem:v5+s17+$0x0], $0xffff  }
.LBB2_50:
0x21f: {  	v6 =	vadd.s32 s21, v0;
	p0 =	sne.s32 s21, $0xC7;
	s21 =	sadd.s32 $0x1, s21  }
.Ltmp24:
0x220: {  	(pc) =	sbr.rel @p0 .LBB2_50-.Ltmp24, $2  }
0x221: {  	_ =	sdelay $0x2  }
0x222: {  	v4 =	vadd.f32 v5, v4;
	v5 =	vld.idx.msk [tilespmem:v6+s17+$0x0], $0xffff  }
0x223: {  	_ =	sdelay $0x2  }
0x224: {  	v6 =	vld [tilespmem:$0x6600]  }
0x225: {  	v4 =	vadd.f32 v5, v4;
	_ =	sdelay $0x1  }
0x226: {  	v4 =	vmul.f32 $4.999999890e-03, v4;
	_ =	sdelay $0x1  }
0x227: {  	v4 =	vadd.f32 v6, v4;
	_ =	sdelay $0x1  }
0x228: {  	v4 =	vsub.f32 $0.0e+00, v4;
	_ =	sdelay $0x1  }
0x229: {  	v4 =	vmul.f32 $1.442695020e+00, v4;
	_ =	sdelay $0x1  }
0x22a: {  	(erf) = vpow2.f32 v4;
	_ =	sdelay $0x8  }
0x22b: {  	v4 =	vpop (erf)  }
0x22c: {  	v4 =	vadd.f32 $1.000000000e+00, v4;
	_ =	sdelay $0x1  }
0x22d: {  	(erf) = vrcp.f32 v4;
	_ =	sdelay $0x4  }
0x22e: {  	s21 =	simm.s32 $0x0  }
0x22f: {  	v5 =	vadd.s32 s21, v1;
	_ =	sdelay $0x2  }
0x230: {  	v4 =	vpop (erf)  }
0x231: {  	[tilespmem:$0x6580] =	vst v4  }
0x232: {  	s21 =	simm.s32 $0x1;
	v4 =	vimm.f32 $0.0e+00;
	v5 =	vld.idx.msk [tilespmem:v5+s17+$0x0], $0xffff  }
.LBB2_52:
0x233: {  	v6 =	vadd.s32 s21, v1;
	p0 =	sne.s32 s21, $0xC7;
	s21 =	sadd.s32 $0x1, s21  }
.Ltmp25:
0x234: {  	(pc) =	sbr.rel @p0 .LBB2_52-.Ltmp25, $2  }
0x235: {  	_ =	sdelay $0x2  }
0x236: {  	v4 =	vadd.f32 v5, v4;
	v5 =	vld.idx.msk [tilespmem:v6+s17+$0x0], $0xffff  }
0x237: {  	_ =	sdelay $0x2  }
0x238: {  	v6 =	vld [tilespmem:$0x6600]  }
0x239: {  	v4 =	vadd.f32 v5, v4;
	_ =	sdelay $0x1  }
0x23a: {  	v4 =	vmul.f32 $4.999999890e-03, v4;
	_ =	sdelay $0x1  }
0x23b: {  	v4 =	vadd.f32 v6, v4;
	_ =	sdelay $0x1  }
0x23c: {  	v4 =	vsub.f32 $0.0e+00, v4;
	_ =	sdelay $0x1  }
0x23d: {  	v4 =	vmul.f32 $1.442695020e+00, v4;
	_ =	sdelay $0x1  }
0x23e: {  	(erf) = vpow2.f32 v4;
	_ =	sdelay $0x8  }
0x23f: {  	v4 =	vpop (erf)  }
0x240: {  	v4 =	vadd.f32 $1.000000000e+00, v4;
	_ =	sdelay $0x1  }
0x241: {  	(erf) = vrcp.f32 v4;
	_ =	sdelay $0x4  }
0x242: {  	s21 =	simm.s32 $0x0  }
0x243: {  	v5 =	vadd.s32 s21, v2;
	_ =	sdelay $0x2  }
0x244: {  	v4 =	vpop (erf)  }
0x245: {  	[tilespmem:$0x6590] =	vst v4  }
0x246: {  	s21 =	simm.s32 $0x1;
	v4 =	vimm.f32 $0.0e+00;
	v5 =	vld.idx.msk [tilespmem:v5+s17+$0x0], $0xffff  }
.LBB2_54:
0x247: {  	v6 =	vadd.s32 s21, v2;
	p0 =	sne.s32 s21, $0xC7;
	s21 =	sadd.s32 $0x1, s21  }
.Ltmp26:
0x248: {  	(pc) =	sbr.rel @p0 .LBB2_54-.Ltmp26, $2  }
0x249: {  	_ =	sdelay $0x2  }
0x24a: {  	v4 =	vadd.f32 v5, v4;
	v5 =	vld.idx.msk [tilespmem:v6+s17+$0x0], $0xffff  }
0x24b: {  	_ =	sdelay $0x2  }
0x24c: {  	v6 =	vld [tilespmem:$0x6600]  }
0x24d: {  	v4 =	vadd.f32 v5, v4;
	_ =	sdelay $0x1  }
0x24e: {  	v4 =	vmul.f32 $4.999999890e-03, v4;
	_ =	sdelay $0x1  }
0x24f: {  	v4 =	vadd.f32 v6, v4;
	_ =	sdelay $0x1  }
0x250: {  	v4 =	vsub.f32 $0.0e+00, v4;
	_ =	sdelay $0x1  }
0x251: {  	v4 =	vmul.f32 $1.442695020e+00, v4;
	_ =	sdelay $0x1  }
0x252: {  	(erf) = vpow2.f32 v4;
	_ =	sdelay $0x8  }
0x253: {  	v4 =	vpop (erf)  }
0x254: {  	v4 =	vadd.f32 $1.000000000e+00, v4;
	_ =	sdelay $0x1  }
0x255: {  	(erf) = vrcp.f32 v4;
	_ =	sdelay $0x4  }
0x256: {  	s21 =	simm.s32 $0x0  }
0x257: {  	v5 =	vadd.s32 s21, v3;
	_ =	sdelay $0x2  }
0x258: {  	v4 =	vpop (erf)  }
0x259: {  	[tilespmem:$0x65A0] =	vst v4  }
0x25a: {  	s21 =	simm.s32 $0x1;
	v4 =	vimm.f32 $0.0e+00;
	v5 =	vld.idx.msk [tilespmem:v5+s17+$0x0], $0xffff  }
.LBB2_56:
0x25b: {  	v6 =	vadd.s32 s21, v3;
	p0 =	sne.s32 s21, $0xC7;
	s21 =	sadd.s32 $0x1, s21  }
.Ltmp27:
0x25c: {  	(pc) =	sbr.rel @p0 .LBB2_56-.Ltmp27, $2  }
0x25d: {  	_ =	sdelay $0x2  }
0x25e: {  	v4 =	vadd.f32 v5, v4;
	v5 =	vld.idx.msk [tilespmem:v6+s17+$0x0], $0xffff  }
0x25f: {  	_ =	sdelay $0x2  }
0x260: {  	v6 =	vld [tilespmem:$0x6600]  }
0x261: {  	v4 =	vadd.f32 v5, v4;
	_ =	sdelay $0x1  }
0x262: {  	v4 =	vmul.f32 $4.999999890e-03, v4;
	_ =	sdelay $0x1  }
0x263: {  	v4 =	vadd.f32 v6, v4;
	_ =	sdelay $0x1  }
0x264: {  	v4 =	vsub.f32 $0.0e+00, v4;
	_ =	sdelay $0x1  }
0x265: {  	v4 =	vmul.f32 $1.442695020e+00, v4;
	_ =	sdelay $0x1  }
0x266: {  	(erf) = vpow2.f32 v4;
	_ =	sdelay $0x8  }
0x267: {  	v4 =	vpop (erf)  }
0x268: {  	v4 =	vadd.f32 $1.000000000e+00, v4;
	_ =	sdelay $0x1  }
0x269: {  	(erf) = vrcp.f32 v4;
	_ =	sdelay $0x8  }
0x26a: {  	v4 =	vpop (erf)  }
0x26b: {  	s21 =	simm.s32 $0x0;
	[tilespmem:$0x65B0] =	vst v4  }
0x26c: {  	[tilespmem:s21], [sflag:$0x2] =	stream.linear.gather [hbm4b:s12+s21], $0x3200, $0x38;
	[tilespmem:$0x6680] =	vst v63  }
0x26d: {  	_ =	swait.ge [sflag:s16], $0x3200  }
0x26e: {  	[sflag:s16] =	ssyncset.done $0x0  }
0x26f: {  	v5 =	vadd.s32 s21, v0;
	[sflag:s16] =	ssyncadd.s32 $0xFFFFCE00  }
0x270: {  	[tilespmem:s17], [sflag:$0x1] =	stream.indirect.gather [hbm4b:s3+s17], $0x1, s21, s17, $0xb8;
	[tilespmem:$0x6680] =	vst v63  }
0x271: {  	_ =	swait.ge [sflag:s18], $0x3200  }
0x272: {  	[sflag:s18] =	ssyncset.done $0x0  }
0x273: {  	[sflag:s18] =	ssyncadd.s32 $0xFFFFCE00  }
0x274: {  	v4 =	vimm.f32 $0.0e+00;
	s21 =	simm.s32 $0x1;
	v5 =	vld.idx.msk [tilespmem:v5+s17+$0x0], $0xffff  }
.LBB2_58:
0x275: {  	v6 =	vadd.s32 s21, v0;
	p0 =	sne.s32 s21, $0xC7;
	s21 =	sadd.s32 $0x1, s21  }
.Ltmp28:
0x276: {  	(pc) =	sbr.rel @p0 .LBB2_58-.Ltmp28, $2  }
0x277: {  	_ =	sdelay $0x2  }
0x278: {  	v4 =	vadd.f32 v5, v4;
	v5 =	vld.idx.msk [tilespmem:v6+s17+$0x0], $0xffff  }
0x279: {  	_ =	sdelay $0x2  }
0x27a: {  	v6 =	vld [tilespmem:$0x6600]  }
0x27b: {  	v4 =	vadd.f32 v5, v4;
	_ =	sdelay $0x1  }
0x27c: {  	v4 =	vmul.f32 $4.999999890e-03, v4;
	_ =	sdelay $0x1  }
0x27d: {  	v4 =	vadd.f32 v6, v4;
	_ =	sdelay $0x1  }
0x27e: {  	v4 =	vsub.f32 $0.0e+00, v4;
	_ =	sdelay $0x1  }
0x27f: {  	v4 =	vmul.f32 $1.442695020e+00, v4;
	_ =	sdelay $0x1  }
0x280: {  	(erf) = vpow2.f32 v4;
	_ =	sdelay $0x8  }
0x281: {  	v4 =	vpop (erf)  }
0x282: {  	v4 =	vadd.f32 $1.000000000e+00, v4;
	_ =	sdelay $0x1  }
0x283: {  	(erf) = vrcp.f32 v4;
	_ =	sdelay $0x4  }
0x284: {  	s21 =	simm.s32 $0x0  }
0x285: {  	v5 =	vadd.s32 s21, v1;
	_ =	sdelay $0x2  }
0x286: {  	v4 =	vpop (erf)  }
0x287: {  	[tilespmem:$0x65C0] =	vst v4  }
0x288: {  	s21 =	simm.s32 $0x1;
	v4 =	vimm.f32 $0.0e+00;
	v5 =	vld.idx.msk [tilespmem:v5+s17+$0x0], $0xffff  }
.LBB2_60:
0x289: {  	v6 =	vadd.s32 s21, v1;
	p0 =	sne.s32 s21, $0xC7;
	s21 =	sadd.s32 $0x1, s21  }
.Ltmp29:
0x28a: {  	(pc) =	sbr.rel @p0 .LBB2_60-.Ltmp29, $2  }
0x28b: {  	_ =	sdelay $0x2  }
0x28c: {  	v4 =	vadd.f32 v5, v4;
	v5 =	vld.idx.msk [tilespmem:v6+s17+$0x0], $0xffff  }
0x28d: {  	_ =	sdelay $0x2  }
0x28e: {  	v6 =	vld [tilespmem:$0x6600]  }
0x28f: {  	v4 =	vadd.f32 v5, v4;
	_ =	sdelay $0x1  }
0x290: {  	v4 =	vmul.f32 $4.999999890e-03, v4;
	_ =	sdelay $0x1  }
0x291: {  	v4 =	vadd.f32 v6, v4;
	_ =	sdelay $0x1  }
0x292: {  	v4 =	vsub.f32 $0.0e+00, v4;
	_ =	sdelay $0x1  }
0x293: {  	v4 =	vmul.f32 $1.442695020e+00, v4;
	_ =	sdelay $0x1  }
0x294: {  	(erf) = vpow2.f32 v4;
	_ =	sdelay $0x8  }
0x295: {  	v4 =	vpop (erf)  }
0x296: {  	v4 =	vadd.f32 $1.000000000e+00, v4;
	_ =	sdelay $0x1  }
0x297: {  	(erf) = vrcp.f32 v4;
	_ =	sdelay $0x4  }
0x298: {  	s21 =	simm.s32 $0x0  }
0x299: {  	v5 =	vadd.s32 s21, v2;
	_ =	sdelay $0x2  }
0x29a: {  	v4 =	vpop (erf)  }
0x29b: {  	[tilespmem:$0x65D0] =	vst v4  }
0x29c: {  	s21 =	simm.s32 $0x1;
	v4 =	vimm.f32 $0.0e+00;
	v5 =	vld.idx.msk [tilespmem:v5+s17+$0x0], $0xffff  }
.LBB2_62:
0x29d: {  	v6 =	vadd.s32 s21, v2;
	p0 =	sne.s32 s21, $0xC7;
	s21 =	sadd.s32 $0x1, s21  }
.Ltmp30:
0x29e: {  	(pc) =	sbr.rel @p0 .LBB2_62-.Ltmp30, $2  }
0x29f: {  	_ =	sdelay $0x2  }
0x2a0: {  	v4 =	vadd.f32 v5, v4;
	v5 =	vld.idx.msk [tilespmem:v6+s17+$0x0], $0xffff  }
0x2a1: {  	_ =	sdelay $0x2  }
0x2a2: {  	v6 =	vld [tilespmem:$0x6600]  }
0x2a3: {  	v4 =	vadd.f32 v5, v4;
	_ =	sdelay $0x1  }
0x2a4: {  	v4 =	vmul.f32 $4.999999890e-03, v4;
	_ =	sdelay $0x1  }
0x2a5: {  	v4 =	vadd.f32 v6, v4;
	_ =	sdelay $0x1  }
0x2a6: {  	v4 =	vsub.f32 $0.0e+00, v4;
	_ =	sdelay $0x1  }
0x2a7: {  	v4 =	vmul.f32 $1.442695020e+00, v4;
	_ =	sdelay $0x1  }
0x2a8: {  	(erf) = vpow2.f32 v4;
	_ =	sdelay $0x8  }
0x2a9: {  	v4 =	vpop (erf)  }
0x2aa: {  	v4 =	vadd.f32 $1.000000000e+00, v4;
	_ =	sdelay $0x1  }
0x2ab: {  	(erf) = vrcp.f32 v4;
	_ =	sdelay $0x4  }
0x2ac: {  	s21 =	simm.s32 $0x0  }
0x2ad: {  	v5 =	vadd.s32 s21, v3;
	_ =	sdelay $0x2  }
0x2ae: {  	v4 =	vpop (erf)  }
0x2af: {  	[tilespmem:$0x65E0] =	vst v4  }
0x2b0: {  	s21 =	simm.s32 $0x1;
	v4 =	vimm.f32 $0.0e+00;
	v5 =	vld.idx.msk [tilespmem:v5+s17+$0x0], $0xffff  }
.LBB2_64:
0x2b1: {  	v6 =	vadd.s32 s21, v3;
	p0 =	sne.s32 s21, $0xC7;
	s21 =	sadd.s32 $0x1, s21  }
.Ltmp31:
0x2b2: {  	(pc) =	sbr.rel @p0 .LBB2_64-.Ltmp31, $2  }
0x2b3: {  	_ =	sdelay $0x2  }
0x2b4: {  	v4 =	vadd.f32 v5, v4;
	v5 =	vld.idx.msk [tilespmem:v6+s17+$0x0], $0xffff  }
0x2b5: {  	_ =	sdelay $0x2  }
0x2b6: {  	v6 =	vld [tilespmem:$0x6600]  }
0x2b7: {  	v4 =	vadd.f32 v5, v4;
	_ =	sdelay $0x1  }
0x2b8: {  	v4 =	vmul.f32 $4.999999890e-03, v4;
	_ =	sdelay $0x1  }
0x2b9: {  	v4 =	vadd.f32 v6, v4;
	_ =	sdelay $0x1  }
0x2ba: {  	v4 =	vsub.f32 $0.0e+00, v4;
	_ =	sdelay $0x1  }
0x2bb: {  	v4 =	vmul.f32 $1.442695020e+00, v4;
	_ =	sdelay $0x1  }
0x2bc: {  	(erf) = vpow2.f32 v4;
	_ =	sdelay $0x8  }
0x2bd: {  	v4 =	vpop (erf)  }
0x2be: {  	v4 =	vadd.f32 $1.000000000e+00, v4;
	_ =	sdelay $0x1  }
0x2bf: {  	(erf) = vrcp.f32 v4;
	_ =	sdelay $0x7  }
0x2c0: {  	s20 =	sadd.s32 $0x1, s20  }
0x2c1: {  	p0 =	sne.s32 s20, s14;
	v4 =	vpop (erf)  }
.Ltmp32:
0x2c2: {  	[tilespmem:$0x65F0] =	vst v4;
	(pc) =	sbr.rel @p0 .LBB2_1-.Ltmp32, $4  }
0x2c3: {  	[hbm4b:s13+s2] =	stream.linear.scatter [tilespmem:s19], [sflag:$0x2], $0x200, $0x38;
	[tilespmem:$0x6680] =	vst v63  }
0x2c4: {  	_ =	swait.ge [sflag:s16], $0x200  }
0x2c5: {  	[sflag:s16] =	ssyncset.done $0x0  }
0x2c6: {  	[sflag:s16] =	ssyncadd.s32 $0xFFFFFE00  }
0x2c7: {  	_ =	sfence.sel $0x180000  }
0x2c8: {  	[bflag:$0x0] =	sbarrier.arrive $0xFFFF  }
0x2c9: {  	p0 =	sne.s32 s0, $0x0;
	_ =	strace $0x90000047  }
0x2ca: {  	s0 =	sadd.s32 @!p0 $0x100000, s1;
	[bflag:$0x2] =	sbarrier.arrive $0xFFFF  }
0x2cb: {  	[sflag:s0] =	ssyncadd.tile.s32 @!p0 $0x1;
	_ =	shalt  }
.Lfunc_end2:
_tile_overlayer_lowered:
.L_overlay_start_2:
0x2cc: {  	(tag) =	ssettag $0x2  }
0x2cd: {  	s0 =	rddreg [dreg:$0x0];
	s2 =	stileid.u32  }
0x2ce: {  	s1 =	rddreg [dreg:$0x1];
	p0 =	sne.s32 s2, $0x0  }
0x2cf: {  	s3 =	rddreg [dreg:$0x2];
	[bflag:$0x3] =	sbarrier.arrive $0xFFFF;
	s2 =	simm.s32 @!p0 $0x1C02  }
0x2d0: {  	[timem:s3], [sflag:s2] =	dma.local @!p0 [hbm:s0], s1  }
0x2d1: {  	s0 =	simm.s32 @!p0 $0x2  }
0x2d2: {  	_ =	swait.ge @!p0 [sflag:s0], s1  }
0x2d3: {  	s1 =	ssub.s32 @!p0 $0x0, s1;
	[sflag:s0] =	ssyncset.done @!p0 $0x0  }
0x2d4: {  	[sflag:s0] =	ssyncadd.s32 @!p0 s1  }
0x2d5: {  	[bflag:$0x3] =	sbarrier.arrive $0xFFFF  }
0x2d6: {  	_ =	shalt  }

</sc_bundles>
